<compile_context>
chip_gen: v7x
topology: tpu7x:2x2x1
jax: 0.10.2.dev20260603
libtpu: 0.0.44.dev20260713+nightly
codegen_flags: <defaults>
</compile_context>

<pallas_src>
import functools

import jax
import jax.numpy as jnp
from jax import lax
from jax.experimental import pallas as pl
from jax.experimental.pallas import tpu as pltpu
from jax.experimental.pallas import tpu_sc as plsc

NC = 2
NS = 16
NW = NC * NS

IDX_W = 128
GATHERS_PER_CHUNK = 8
CHUNK = IDX_W * GATHERS_PER_CHUNK


def _sc_gather(table, idx):
    n = idx.shape[0]
    d = table.shape[1]
    per_w = n // NW
    n_chunks = per_w // CHUNK
    assert per_w % CHUNK == 0

    idx2d = idx.reshape(n // IDX_W, IDX_W)

    mesh = plsc.VectorSubcoreMesh(core_axis_name="c", subcore_axis_name="s")

    @functools.partial(
        pl.kernel,
        out_type=jax.ShapeDtypeStruct((n, d), jnp.float32),
        mesh=mesh,
        scratch_types=[
            pltpu.VMEM((GATHERS_PER_CHUNK, IDX_W), jnp.int32),
            pltpu.VMEM((CHUNK, d), jnp.float32),
            pltpu.SemaphoreType.DMA,
            pltpu.SemaphoreType.DMA,
        ],
        compiler_params=pltpu.CompilerParams(use_tc_tiling_on_sc=False),
    )
    def k(table_hbm, idx_hbm, out_hbm, idx_v, rows_v, gsem, osem):
        wid = lax.axis_index("s") * NC + lax.axis_index("c")
        row0 = wid * per_w
        irow0 = wid * (per_w // IDX_W)

        @pl.loop(0, n_chunks)
        def _(ci):
            base = row0 + ci * CHUNK
            ibase = irow0 + ci * GATHERS_PER_CHUNK
            pltpu.sync_copy(idx_hbm.at[pl.ds(ibase, GATHERS_PER_CHUNK)], idx_v)
            for g in range(GATHERS_PER_CHUNK):
                pltpu.async_copy(
                    table_hbm.at[idx_v.at[g]],
                    rows_v.at[pl.ds(g * IDX_W, IDX_W)],
                    gsem,
                )
            for g in range(GATHERS_PER_CHUNK):
                pltpu.make_async_copy(
                    table_hbm.at[idx_v.at[g]],
                    rows_v.at[pl.ds(g * IDX_W, IDX_W)],
                    gsem,
                ).wait()
            pltpu.async_copy(rows_v, out_hbm.at[pl.ds(base, CHUNK)], osem).wait()

    return k(table, idx2d)


def _conv_body(tt_ref, o_ref):
    for t in range(16):
        for m in range(4):
            sub = tt_ref[:, pl.ds(512 * t + 128 * m, 128)]
            o_ref[pl.ds(128 * t, 128), pl.ds(32 * m, 32)] = sub.T


def _tc_table_convert(ttT, vpad):
    nv = ttT.shape[1]
    grid = (nv + 8191) // 8192
    return pl.pallas_call(
        _conv_body,
        grid=(grid,),
        in_specs=[pl.BlockSpec((32, 8192), lambda i: (0, i))],
        out_specs=pl.BlockSpec((2048, 128), lambda i: (i, 0)),
        out_shape=jax.ShapeDtypeStruct((vpad * 32 // 128, 128), jnp.float32),
    )(ttT)


def _addt_body(tok_ref, pos_ref, o_ref):
    for r in range(50):
        t = tok_ref[0, pl.ds(128 * r, 128), :]
        t = t + pos_ref[pl.ds(r, 1), :]
        o_ref[pl.ds(128 * r, 128), :] = t.T


def _tc_add_transpose(tok3, pos2, nbatch):
    nblk = tok3.shape[0]
    return pl.pallas_call(
        _addt_body,
        grid=(nblk,),
        in_specs=[
            pl.BlockSpec((1, 6400, 128), lambda i: (i, 0, 0)),
            pl.BlockSpec((56, 128), lambda i: (0, 0)),
        ],
        out_specs=pl.BlockSpec((6400, 128), lambda i: (0, i)),
        out_shape=jax.ShapeDtypeStruct((6400, nbatch), jnp.float32),
    )(tok3, pos2)


def kernel(x, token_table, pos_table):
    batch, seqlen = x.shape
    embed = token_table.shape[1]
    nblk = batch // 128
    xi = x.astype(jnp.int32).reshape(nblk, 128, seqlen // 4, 4)
    idx = xi.transpose(0, 2, 1, 3).reshape(-1)
    voc = token_table.shape[0]
    vpad = ((voc + 511) // 512) * 512
    tlin = _tc_table_convert(token_table.T, vpad)
    table = tlin.reshape(-1).reshape(vpad, embed)
    sidx = (idx // 512) * 512 + (idx % 128) * 4 + (idx % 512) // 128
    tok = _sc_gather(table, sidx)
    tok3 = tok.reshape(nblk, 6400, 128)
    pos2 = jnp.pad(pos_table.reshape(50, 128), ((0, 6), (0, 0)))
    out2 = _tc_add_transpose(tok3, pos2, batch)
    return out2.reshape(seqlen, embed, batch).transpose(2, 0, 1)

# --- scband reference (transcript-rebuilt; emitter-appended) ---
"""Pipeline reference for scband-token-and-position-embedding-2061584302892 (READ-ONLY COPY).

The authoritative reference and input builder live on the scoring server;
editing this copy changes nothing except your own understanding.
"""

import jax, jax.numpy as jnp
import numpy as np

VOCAB = 1000000
MAXLEN = 200
EMBED = 32
BATCH = 4096

def setup_inputs(seed: int = 0) -> dict:
    key = jax.random.key(seed)
    k1, k2, k3 = jax.random.split(key, 3)
    x = jax.random.randint(k1, (BATCH, MAXLEN), 0, VOCAB, dtype=jnp.int64 if jax.config.jax_enable_x64 else jnp.int32)
    token_table = jax.random.normal(k2, (VOCAB, EMBED), dtype=jnp.float32) * 0.02
    pos_table = jax.random.normal(k3, (MAXLEN, EMBED), dtype=jnp.float32) * 0.02
    return {"x": x, "token_table": token_table, "pos_table": pos_table}

def reference(x, token_table, pos_table):
    seqlen = x.shape[-1]
    positions = jnp.arange(0, seqlen)
    pos = jnp.take(pos_table, positions, axis=0)          # [seqlen, embed]
    tok = jnp.take(token_table, x, axis=0)                # [batch, seqlen, embed]
    return tok + pos[None, :, :]

if __name__ == "__main__":
    import jax
    _d = setup_inputs()
    print(jax.jit(kernel)(*tuple(_d.values())))

</pallas_src>

<mosaic_0001>
#map = affine_map<(d0, d1) -> (0, 0)>
module attributes {stable_mosaic.version = 14 : i64} {
  func.func @k(%arg0: i32, %arg1: i32, %arg2: memref<1000448x32xf32, #tpu.memory_space<hbm>>, %arg3: memref<6400x128xi32, #tpu.memory_space<hbm>>, %arg4: memref<819200x32xf32, #tpu.memory_space<hbm>>, %arg5: memref<8x128xi32, #tpu.memory_space<vmem>>, %arg6: memref<1024x32xf32, #tpu.memory_space<vmem>>, %arg7: memref<!tpu.dma_semaphore, #tpu.memory_space<semaphore_mem>>, %arg8: memref<!tpu.dma_semaphore, #tpu.memory_space<semaphore_mem>>) attributes {dimension_semantics = [#tpu.dimension_semantics<core_parallel>, #tpu.dimension_semantics<subcore_parallel>], iteration_bounds = array<i64: 2, 16>, scalar_prefetch = 0 : i64, scratch_operands = 4 : i64, tpu.core_type = #tpu.core_type<sc_vector_subcore>, window_params = [{transform_indices = #map}, {transform_indices = #map}, {transform_indices = #map}]} {
    %mul3A = arith.constant 2 : i32
    %mul3A_0 = arith.muli %arg1, %mul3A : i32
    %add3A = arith.addi %mul3A_0, %arg0 : i32
    %mul3A_1 = arith.constant 25600 : i32
    %mul3A_2 = arith.muli %add3A, %mul3A_1 : i32
    %mul3A_3 = arith.constant 200 : i32
    %mul3A_4 = arith.muli %add3A, %mul3A_3 : i32
    %scan3A = arith.constant 0 : i32
    %scan3A_5 = arith.constant 25 : i32
    %scan3A_6 = arith.addi %scan3A, %scan3A_5 : i32
    %scan3A_7 = arith.constant 1 : i32
    scf.for %scan3A_9 = %scan3A to %scan3A_6 step %scan3A_7  : i32 {
      %mul3A_10 = arith.constant 1 : i32
      %mul3A_11 = arith.muli %scan3A_9, %mul3A_10 : i32
      %add3A_12 = arith.constant 0 : i32
      %add3A_13 = arith.addi %add3A_12, %mul3A_11 : i32
      %mul3A_14 = arith.constant 1024 : i32
      %mul3A_15 = arith.muli %add3A_13, %mul3A_14 : i32
      %add3A_16 = arith.addi %mul3A_2, %mul3A_15 : i32
      %mul3A_17 = arith.constant 8 : i32
      %mul3A_18 = arith.muli %add3A_13, %mul3A_17 : i32
      %add3A_19 = arith.addi %mul3A_4, %mul3A_18 : i32
      "tpu.region"() ({
        %run_scoped3A = tpu.sem_alloc : memref<!tpu.dma_semaphore, #tpu.memory_space<semaphore_mem>>
        %dma_start3A_186 = arith.constant 0 : i32
        %dma_start3A_187 = tpu.memref_slice %arg3[%add3A_19, %dma_start3A_186] : memref<6400x128xi32, #tpu.memory_space<hbm>> -> memref<8x128xi32, #tpu.memory_space<hbm>>
        %dma_start3A_188 = arith.constant 0 : i32
        %dma_start3A_189 = tpu.memref_slice %arg3[%add3A_19, %dma_start3A_188] : memref<6400x128xi32, #tpu.memory_space<hbm>> -> memref<8x128xi32, #tpu.memory_space<hbm>>
        tpu.enqueue_dma source(%dma_start3A_189 : memref<8x128xi32, #tpu.memory_space<hbm>>) target(%arg5 : memref<8x128xi32, #tpu.memory_space<vmem>>) target_semaphore(%run_scoped3A : memref<!tpu.dma_semaphore, #tpu.memory_space<semaphore_mem>>)
        %dma_wait3A_190 = arith.constant 0 : i32
        %dma_wait3A_191 = tpu.memref_slice %arg3[%add3A_19, %dma_wait3A_190] : memref<6400x128xi32, #tpu.memory_space<hbm>> -> memref<8x128xi32, #tpu.memory_space<hbm>>
        %dma_wait3A_192 = arith.constant 0 : i32
        %dma_wait3A_193 = tpu.memref_slice %arg3[%add3A_19, %dma_wait3A_192] : memref<6400x128xi32, #tpu.memory_space<hbm>> -> memref<8x128xi32, #tpu.memory_space<hbm>>
        tpu.wait_dma2 semaphore(%run_scoped3A : memref<!tpu.dma_semaphore, #tpu.memory_space<semaphore_mem>>) src(%dma_wait3A_193 : memref<8x128xi32, #tpu.memory_space<hbm>>) dst(%arg5 : memref<8x128xi32, #tpu.memory_space<vmem>>)
        tpu.yield
      }) : () -> ()
      %dma_start3A = arith.constant 0 : i32
      %dma_start3A_20 = arith.constant 0 : i32
      %dma_start3A_21 = arith.constant 0 : i32
      %dma_start3A_22 = tpu.memref_slice %arg6[%dma_start3A_20, %dma_start3A_21] : memref<1024x32xf32, #tpu.memory_space<vmem>> -> memref<128x32xf32, #tpu.memory_space<vmem>>
      %dma_start3A_23 = arith.constant 0 : i32
      %dma_start3A_24 = tpu.memref_slice %arg5[%dma_start3A, %dma_start3A_23] : memref<8x128xi32, #tpu.memory_space<vmem>> -> memref<1x128xi32, #tpu.memory_space<vmem>>
      %dma_start3A_25 = tpu.memref_squeeze %dma_start3A_24 : memref<1x128xi32, #tpu.memory_space<vmem>> -> memref<128xi32, #tpu.memory_space<vmem>>
      %dma_start3A_26 = arith.constant 0 : i32
      %dma_start3A_27 = arith.constant 0 : i32
      %dma_start3A_28 = tpu.memref_slice %arg2[%dma_start3A_26, %dma_start3A_27] : memref<1000448x32xf32, #tpu.memory_space<hbm>> -> memref<1000448x32xf32, #tpu.memory_space<hbm>>
      tpu.enqueue_indirect_dma source(%dma_start3A_28 : memref<1000448x32xf32, #tpu.memory_space<hbm>>) target(%dma_start3A_22 : memref<128x32xf32, #tpu.memory_space<vmem>>) offsets(%dma_start3A_25 : memref<128xi32, #tpu.memory_space<vmem>>) semaphore(%arg7 : memref<!tpu.dma_semaphore, #tpu.memory_space<semaphore_mem>>)
      %dma_start3A_29 = arith.constant 1 : i32
      %dma_start3A_30 = arith.constant 128 : i32
      %dma_start3A_31 = arith.constant 0 : i32
      %dma_start3A_32 = tpu.memref_slice %arg6[%dma_start3A_30, %dma_start3A_31] : memref<1024x32xf32, #tpu.memory_space<vmem>> -> memref<128x32xf32, #tpu.memory_space<vmem>>
      %dma_start3A_33 = arith.constant 0 : i32
      %dma_start3A_34 = tpu.memref_slice %arg5[%dma_start3A_29, %dma_start3A_33] : memref<8x128xi32, #tpu.memory_space<vmem>> -> memref<1x128xi32, #tpu.memory_space<vmem>>
      %dma_start3A_35 = tpu.memref_squeeze %dma_start3A_34 : memref<1x128xi32, #tpu.memory_space<vmem>> -> memref<128xi32, #tpu.memory_space<vmem>>
      %dma_start3A_36 = arith.constant 0 : i32
      %dma_start3A_37 = arith.constant 0 : i32
      %dma_start3A_38 = tpu.memref_slice %arg2[%dma_start3A_36, %dma_start3A_37] : memref<1000448x32xf32, #tpu.memory_space<hbm>> -> memref<1000448x32xf32, #tpu.memory_space<hbm>>
      tpu.enqueue_indirect_dma source(%dma_start3A_38 : memref<1000448x32xf32, #tpu.memory_space<hbm>>) target(%dma_start3A_32 : memref<128x32xf32, #tpu.memory_space<vmem>>) offsets(%dma_start3A_35 : memref<128xi32, #tpu.memory_space<vmem>>) semaphore(%arg7 : memref<!tpu.dma_semaphore, #tpu.memory_space<semaphore_mem>>)
      %dma_start3A_39 = arith.constant 2 : i32
      %dma_start3A_40 = arith.constant 256 : i32
      %dma_start3A_41 = arith.constant 0 : i32
      %dma_start3A_42 = tpu.memref_slice %arg6[%dma_start3A_40, %dma_start3A_41] : memref<1024x32xf32, #tpu.memory_space<vmem>> -> memref<128x32xf32, #tpu.memory_space<vmem>>
      %dma_start3A_43 = arith.constant 0 : i32
      %dma_start3A_44 = tpu.memref_slice %arg5[%dma_start3A_39, %dma_start3A_43] : memref<8x128xi32, #tpu.memory_space<vmem>> -> memref<1x128xi32, #tpu.memory_space<vmem>>
      %dma_start3A_45 = tpu.memref_squeeze %dma_start3A_44 : memref<1x128xi32, #tpu.memory_space<vmem>> -> memref<128xi32, #tpu.memory_space<vmem>>
      %dma_start3A_46 = arith.constant 0 : i32
      %dma_start3A_47 = arith.constant 0 : i32
      %dma_start3A_48 = tpu.memref_slice %arg2[%dma_start3A_46, %dma_start3A_47] : memref<1000448x32xf32, #tpu.memory_space<hbm>> -> memref<1000448x32xf32, #tpu.memory_space<hbm>>
      tpu.enqueue_indirect_dma source(%dma_start3A_48 : memref<1000448x32xf32, #tpu.memory_space<hbm>>) target(%dma_start3A_42 : memref<128x32xf32, #tpu.memory_space<vmem>>) offsets(%dma_start3A_45 : memref<128xi32, #tpu.memory_space<vmem>>) semaphore(%arg7 : memref<!tpu.dma_semaphore, #tpu.memory_space<semaphore_mem>>)
      %dma_start3A_49 = arith.constant 3 : i32
      %dma_start3A_50 = arith.constant 384 : i32
      %dma_start3A_51 = arith.constant 0 : i32
      %dma_start3A_52 = tpu.memref_slice %arg6[%dma_start3A_50, %dma_start3A_51] : memref<1024x32xf32, #tpu.memory_space<vmem>> -> memref<128x32xf32, #tpu.memory_space<vmem>>
      %dma_start3A_53 = arith.constant 0 : i32
      %dma_start3A_54 = tpu.memref_slice %arg5[%dma_start3A_49, %dma_start3A_53] : memref<8x128xi32, #tpu.memory_space<vmem>> -> memref<1x128xi32, #tpu.memory_space<vmem>>
      %dma_start3A_55 = tpu.memref_squeeze %dma_start3A_54 : memref<1x128xi32, #tpu.memory_space<vmem>> -> memref<128xi32, #tpu.memory_space<vmem>>
      %dma_start3A_56 = arith.constant 0 : i32
      %dma_start3A_57 = arith.constant 0 : i32
      %dma_start3A_58 = tpu.memref_slice %arg2[%dma_start3A_56, %dma_start3A_57] : memref<1000448x32xf32, #tpu.memory_space<hbm>> -> memref<1000448x32xf32, #tpu.memory_space<hbm>>
      tpu.enqueue_indirect_dma source(%dma_start3A_58 : memref<1000448x32xf32, #tpu.memory_space<hbm>>) target(%dma_start3A_52 : memref<128x32xf32, #tpu.memory_space<vmem>>) offsets(%dma_start3A_55 : memref<128xi32, #tpu.memory_space<vmem>>) semaphore(%arg7 : memref<!tpu.dma_semaphore, #tpu.memory_space<semaphore_mem>>)
      %dma_start3A_59 = arith.constant 4 : i32
      %dma_start3A_60 = arith.constant 512 : i32
      %dma_start3A_61 = arith.constant 0 : i32
      %dma_start3A_62 = tpu.memref_slice %arg6[%dma_start3A_60, %dma_start3A_61] : memref<1024x32xf32, #tpu.memory_space<vmem>> -> memref<128x32xf32, #tpu.memory_space<vmem>>
      %dma_start3A_63 = arith.constant 0 : i32
      %dma_start3A_64 = tpu.memref_slice %arg5[%dma_start3A_59, %dma_start3A_63] : memref<8x128xi32, #tpu.memory_space<vmem>> -> memref<1x128xi32, #tpu.memory_space<vmem>>
      %dma_start3A_65 = tpu.memref_squeeze %dma_start3A_64 : memref<1x128xi32, #tpu.memory_space<vmem>> -> memref<128xi32, #tpu.memory_space<vmem>>
      %dma_start3A_66 = arith.constant 0 : i32
      %dma_start3A_67 = arith.constant 0 : i32
      %dma_start3A_68 = tpu.memref_slice %arg2[%dma_start3A_66, %dma_start3A_67] : memref<1000448x32xf32, #tpu.memory_space<hbm>> -> memref<1000448x32xf32, #tpu.memory_space<hbm>>
      tpu.enqueue_indirect_dma source(%dma_start3A_68 : memref<1000448x32xf32, #tpu.memory_space<hbm>>) target(%dma_start3A_62 : memref<128x32xf32, #tpu.memory_space<vmem>>) offsets(%dma_start3A_65 : memref<128xi32, #tpu.memory_space<vmem>>) semaphore(%arg7 : memref<!tpu.dma_semaphore, #tpu.memory_space<semaphore_mem>>)
      %dma_start3A_69 = arith.constant 5 : i32
      %dma_start3A_70 = arith.constant 640 : i32
      %dma_start3A_71 = arith.constant 0 : i32
      %dma_start3A_72 = tpu.memref_slice %arg6[%dma_start3A_70, %dma_start3A_71] : memref<1024x32xf32, #tpu.memory_space<vmem>> -> memref<128x32xf32, #tpu.memory_space<vmem>>
      %dma_start3A_73 = arith.constant 0 : i32
      %dma_start3A_74 = tpu.memref_slice %arg5[%dma_start3A_69, %dma_start3A_73] : memref<8x128xi32, #tpu.memory_space<vmem>> -> memref<1x128xi32, #tpu.memory_space<vmem>>
      %dma_start3A_75 = tpu.memref_squeeze %dma_start3A_74 : memref<1x128xi32, #tpu.memory_space<vmem>> -> memref<128xi32, #tpu.memory_space<vmem>>
      %dma_start3A_76 = arith.constant 0 : i32
      %dma_start3A_77 = arith.constant 0 : i32
      %dma_start3A_78 = tpu.memref_slice %arg2[%dma_start3A_76, %dma_start3A_77] : memref<1000448x32xf32, #tpu.memory_space<hbm>> -> memref<1000448x32xf32, #tpu.memory_space<hbm>>
      tpu.enqueue_indirect_dma source(%dma_start3A_78 : memref<1000448x32xf32, #tpu.memory_space<hbm>>) target(%dma_start3A_72 : memref<128x32xf32, #tpu.memory_space<vmem>>) offsets(%dma_start3A_75 : memref<128xi32, #tpu.memory_space<vmem>>) semaphore(%arg7 : memref<!tpu.dma_semaphore, #tpu.memory_space<semaphore_mem>>)
      %dma_start3A_79 = arith.constant 6 : i32
      %dma_start3A_80 = arith.constant 768 : i32
      %dma_start3A_81 = arith.constant 0 : i32
      %dma_start3A_82 = tpu.memref_slice %arg6[%dma_start3A_80, %dma_start3A_81] : memref<1024x32xf32, #tpu.memory_space<vmem>> -> memref<128x32xf32, #tpu.memory_space<vmem>>
      %dma_start3A_83 = arith.constant 0 : i32
      %dma_start3A_84 = tpu.memref_slice %arg5[%dma_start3A_79, %dma_start3A_83] : memref<8x128xi32, #tpu.memory_space<vmem>> -> memref<1x128xi32, #tpu.memory_space<vmem>>
      %dma_start3A_85 = tpu.memref_squeeze %dma_start3A_84 : memref<1x128xi32, #tpu.memory_space<vmem>> -> memref<128xi32, #tpu.memory_space<vmem>>
      %dma_start3A_86 = arith.constant 0 : i32
      %dma_start3A_87 = arith.constant 0 : i32
      %dma_start3A_88 = tpu.memref_slice %arg2[%dma_start3A_86, %dma_start3A_87] : memref<1000448x32xf32, #tpu.memory_space<hbm>> -> memref<1000448x32xf32, #tpu.memory_space<hbm>>
      tpu.enqueue_indirect_dma source(%dma_start3A_88 : memref<1000448x32xf32, #tpu.memory_space<hbm>>) target(%dma_start3A_82 : memref<128x32xf32, #tpu.memory_space<vmem>>) offsets(%dma_start3A_85 : memref<128xi32, #tpu.memory_space<vmem>>) semaphore(%arg7 : memref<!tpu.dma_semaphore, #tpu.memory_space<semaphore_mem>>)
      %dma_start3A_89 = arith.constant 7 : i32
      %dma_start3A_90 = arith.constant 896 : i32
      %dma_start3A_91 = arith.constant 0 : i32
      %dma_start3A_92 = tpu.memref_slice %arg6[%dma_start3A_90, %dma_start3A_91] : memref<1024x32xf32, #tpu.memory_space<vmem>> -> memref<128x32xf32, #tpu.memory_space<vmem>>
      %dma_start3A_93 = arith.constant 0 : i32
      %dma_start3A_94 = tpu.memref_slice %arg5[%dma_start3A_89, %dma_start3A_93] : memref<8x128xi32, #tpu.memory_space<vmem>> -> memref<1x128xi32, #tpu.memory_space<vmem>>
      %dma_start3A_95 = tpu.memref_squeeze %dma_start3A_94 : memref<1x128xi32, #tpu.memory_space<vmem>> -> memref<128xi32, #tpu.memory_space<vmem>>
      %dma_start3A_96 = arith.constant 0 : i32
      %dma_start3A_97 = arith.constant 0 : i32
      %dma_start3A_98 = tpu.memref_slice %arg2[%dma_start3A_96, %dma_start3A_97] : memref<1000448x32xf32, #tpu.memory_space<hbm>> -> memref<1000448x32xf32, #tpu.memory_space<hbm>>
      tpu.enqueue_indirect_dma source(%dma_start3A_98 : memref<1000448x32xf32, #tpu.memory_space<hbm>>) target(%dma_start3A_92 : memref<128x32xf32, #tpu.memory_space<vmem>>) offsets(%dma_start3A_95 : memref<128xi32, #tpu.memory_space<vmem>>) semaphore(%arg7 : memref<!tpu.dma_semaphore, #tpu.memory_space<semaphore_mem>>)
      %dma_wait3A = arith.constant 0 : i32
      %dma_wait3A_99 = arith.constant 0 : i32
      %dma_wait3A_100 = arith.constant 0 : i32
      %dma_wait3A_101 = tpu.memref_slice %arg6[%dma_wait3A_99, %dma_wait3A_100] : memref<1024x32xf32, #tpu.memory_space<vmem>> -> memref<128x32xf32, #tpu.memory_space<vmem>>
      %dma_wait3A_102 = arith.constant 0 : i32
      %dma_wait3A_103 = tpu.memref_slice %arg5[%dma_wait3A, %dma_wait3A_102] : memref<8x128xi32, #tpu.memory_space<vmem>> -> memref<1x128xi32, #tpu.memory_space<vmem>>
      %dma_wait3A_104 = tpu.memref_squeeze %dma_wait3A_103 : memref<1x128xi32, #tpu.memory_space<vmem>> -> memref<128xi32, #tpu.memory_space<vmem>>
      %dma_wait3A_105 = arith.constant 0 : i32
      %dma_wait3A_106 = arith.constant 0 : i32
      %dma_wait3A_107 = tpu.memref_slice %arg2[%dma_wait3A_105, %dma_wait3A_106] : memref<1000448x32xf32, #tpu.memory_space<hbm>> -> memref<1000448x32xf32, #tpu.memory_space<hbm>>
      tpu.wait_indirect_dma semaphore(%arg7 : memref<!tpu.dma_semaphore, #tpu.memory_space<semaphore_mem>>) src(%dma_wait3A_107 : memref<1000448x32xf32, #tpu.memory_space<hbm>>) dst(%dma_wait3A_101 : memref<128x32xf32, #tpu.memory_space<vmem>>)
      %dma_wait3A_108 = arith.constant 1 : i32
      %dma_wait3A_109 = arith.constant 128 : i32
      %dma_wait3A_110 = arith.constant 0 : i32
      %dma_wait3A_111 = tpu.memref_slice %arg6[%dma_wait3A_109, %dma_wait3A_110] : memref<1024x32xf32, #tpu.memory_space<vmem>> -> memref<128x32xf32, #tpu.memory_space<vmem>>
      %dma_wait3A_112 = arith.constant 0 : i32
      %dma_wait3A_113 = tpu.memref_slice %arg5[%dma_wait3A_108, %dma_wait3A_112] : memref<8x128xi32, #tpu.memory_space<vmem>> -> memref<1x128xi32, #tpu.memory_space<vmem>>
      %dma_wait3A_114 = tpu.memref_squeeze %dma_wait3A_113 : memref<1x128xi32, #tpu.memory_space<vmem>> -> memref<128xi32, #tpu.memory_space<vmem>>
      %dma_wait3A_115 = arith.constant 0 : i32
      %dma_wait3A_116 = arith.constant 0 : i32
      %dma_wait3A_117 = tpu.memref_slice %arg2[%dma_wait3A_115, %dma_wait3A_116] : memref<1000448x32xf32, #tpu.memory_space<hbm>> -> memref<1000448x32xf32, #tpu.memory_space<hbm>>
      tpu.wait_indirect_dma semaphore(%arg7 : memref<!tpu.dma_semaphore, #tpu.memory_space<semaphore_mem>>) src(%dma_wait3A_117 : memref<1000448x32xf32, #tpu.memory_space<hbm>>) dst(%dma_wait3A_111 : memref<128x32xf32, #tpu.memory_space<vmem>>)
      %dma_wait3A_118 = arith.constant 2 : i32
      %dma_wait3A_119 = arith.constant 256 : i32
      %dma_wait3A_120 = arith.constant 0 : i32
      %dma_wait3A_121 = tpu.memref_slice %arg6[%dma_wait3A_119, %dma_wait3A_120] : memref<1024x32xf32, #tpu.memory_space<vmem>> -> memref<128x32xf32, #tpu.memory_space<vmem>>
      %dma_wait3A_122 = arith.constant 0 : i32
      %dma_wait3A_123 = tpu.memref_slice %arg5[%dma_wait3A_118, %dma_wait3A_122] : memref<8x128xi32, #tpu.memory_space<vmem>> -> memref<1x128xi32, #tpu.memory_space<vmem>>
      %dma_wait3A_124 = tpu.memref_squeeze %dma_wait3A_123 : memref<1x128xi32, #tpu.memory_space<vmem>> -> memref<128xi32, #tpu.memory_space<vmem>>
      %dma_wait3A_125 = arith.constant 0 : i32
      %dma_wait3A_126 = arith.constant 0 : i32
      %dma_wait3A_127 = tpu.memref_slice %arg2[%dma_wait3A_125, %dma_wait3A_126] : memref<1000448x32xf32, #tpu.memory_space<hbm>> -> memref<1000448x32xf32, #tpu.memory_space<hbm>>
      tpu.wait_indirect_dma semaphore(%arg7 : memref<!tpu.dma_semaphore, #tpu.memory_space<semaphore_mem>>) src(%dma_wait3A_127 : memref<1000448x32xf32, #tpu.memory_space<hbm>>) dst(%dma_wait3A_121 : memref<128x32xf32, #tpu.memory_space<vmem>>)
      %dma_wait3A_128 = arith.constant 3 : i32
      %dma_wait3A_129 = arith.constant 384 : i32
      %dma_wait3A_130 = arith.constant 0 : i32
      %dma_wait3A_131 = tpu.memref_slice %arg6[%dma_wait3A_129, %dma_wait3A_130] : memref<1024x32xf32, #tpu.memory_space<vmem>> -> memref<128x32xf32, #tpu.memory_space<vmem>>
      %dma_wait3A_132 = arith.constant 0 : i32
      %dma_wait3A_133 = tpu.memref_slice %arg5[%dma_wait3A_128, %dma_wait3A_132] : memref<8x128xi32, #tpu.memory_space<vmem>> -> memref<1x128xi32, #tpu.memory_space<vmem>>
      %dma_wait3A_134 = tpu.memref_squeeze %dma_wait3A_133 : memref<1x128xi32, #tpu.memory_space<vmem>> -> memref<128xi32, #tpu.memory_space<vmem>>
      %dma_wait3A_135 = arith.constant 0 : i32
      %dma_wait3A_136 = arith.constant 0 : i32
      %dma_wait3A_137 = tpu.memref_slice %arg2[%dma_wait3A_135, %dma_wait3A_136] : memref<1000448x32xf32, #tpu.memory_space<hbm>> -> memref<1000448x32xf32, #tpu.memory_space<hbm>>
      tpu.wait_indirect_dma semaphore(%arg7 : memref<!tpu.dma_semaphore, #tpu.memory_space<semaphore_mem>>) src(%dma_wait3A_137 : memref<1000448x32xf32, #tpu.memory_space<hbm>>) dst(%dma_wait3A_131 : memref<128x32xf32, #tpu.memory_space<vmem>>)
      %dma_wait3A_138 = arith.constant 4 : i32
      %dma_wait3A_139 = arith.constant 512 : i32
      %dma_wait3A_140 = arith.constant 0 : i32
      %dma_wait3A_141 = tpu.memref_slice %arg6[%dma_wait3A_139, %dma_wait3A_140] : memref<1024x32xf32, #tpu.memory_space<vmem>> -> memref<128x32xf32, #tpu.memory_space<vmem>>
      %dma_wait3A_142 = arith.constant 0 : i32
      %dma_wait3A_143 = tpu.memref_slice %arg5[%dma_wait3A_138, %dma_wait3A_142] : memref<8x128xi32, #tpu.memory_space<vmem>> -> memref<1x128xi32, #tpu.memory_space<vmem>>
      %dma_wait3A_144 = tpu.memref_squeeze %dma_wait3A_143 : memref<1x128xi32, #tpu.memory_space<vmem>> -> memref<128xi32, #tpu.memory_space<vmem>>
      %dma_wait3A_145 = arith.constant 0 : i32
      %dma_wait3A_146 = arith.constant 0 : i32
      %dma_wait3A_147 = tpu.memref_slice %arg2[%dma_wait3A_145, %dma_wait3A_146] : memref<1000448x32xf32, #tpu.memory_space<hbm>> -> memref<1000448x32xf32, #tpu.memory_space<hbm>>
      tpu.wait_indirect_dma semaphore(%arg7 : memref<!tpu.dma_semaphore, #tpu.memory_space<semaphore_mem>>) src(%dma_wait3A_147 : memref<1000448x32xf32, #tpu.memory_space<hbm>>) dst(%dma_wait3A_141 : memref<128x32xf32, #tpu.memory_space<vmem>>)
      %dma_wait3A_148 = arith.constant 5 : i32
      %dma_wait3A_149 = arith.constant 640 : i32
      %dma_wait3A_150 = arith.constant 0 : i32
      %dma_wait3A_151 = tpu.memref_slice %arg6[%dma_wait3A_149, %dma_wait3A_150] : memref<1024x32xf32, #tpu.memory_space<vmem>> -> memref<128x32xf32, #tpu.memory_space<vmem>>
      %dma_wait3A_152 = arith.constant 0 : i32
      %dma_wait3A_153 = tpu.memref_slice %arg5[%dma_wait3A_148, %dma_wait3A_152] : memref<8x128xi32, #tpu.memory_space<vmem>> -> memref<1x128xi32, #tpu.memory_space<vmem>>
      %dma_wait3A_154 = tpu.memref_squeeze %dma_wait3A_153 : memref<1x128xi32, #tpu.memory_space<vmem>> -> memref<128xi32, #tpu.memory_space<vmem>>
      %dma_wait3A_155 = arith.constant 0 : i32
      %dma_wait3A_156 = arith.constant 0 : i32
      %dma_wait3A_157 = tpu.memref_slice %arg2[%dma_wait3A_155, %dma_wait3A_156] : memref<1000448x32xf32, #tpu.memory_space<hbm>> -> memref<1000448x32xf32, #tpu.memory_space<hbm>>
      tpu.wait_indirect_dma semaphore(%arg7 : memref<!tpu.dma_semaphore, #tpu.memory_space<semaphore_mem>>) src(%dma_wait3A_157 : memref<1000448x32xf32, #tpu.memory_space<hbm>>) dst(%dma_wait3A_151 : memref<128x32xf32, #tpu.memory_space<vmem>>)
      %dma_wait3A_158 = arith.constant 6 : i32
      %dma_wait3A_159 = arith.constant 768 : i32
      %dma_wait3A_160 = arith.constant 0 : i32
      %dma_wait3A_161 = tpu.memref_slice %arg6[%dma_wait3A_159, %dma_wait3A_160] : memref<1024x32xf32, #tpu.memory_space<vmem>> -> memref<128x32xf32, #tpu.memory_space<vmem>>
      %dma_wait3A_162 = arith.constant 0 : i32
      %dma_wait3A_163 = tpu.memref_slice %arg5[%dma_wait3A_158, %dma_wait3A_162] : memref<8x128xi32, #tpu.memory_space<vmem>> -> memref<1x128xi32, #tpu.memory_space<vmem>>
      %dma_wait3A_164 = tpu.memref_squeeze %dma_wait3A_163 : memref<1x128xi32, #tpu.memory_space<vmem>> -> memref<128xi32, #tpu.memory_space<vmem>>
      %dma_wait3A_165 = arith.constant 0 : i32
      %dma_wait3A_166 = arith.constant 0 : i32
      %dma_wait3A_167 = tpu.memref_slice %arg2[%dma_wait3A_165, %dma_wait3A_166] : memref<1000448x32xf32, #tpu.memory_space<hbm>> -> memref<1000448x32xf32, #tpu.memory_space<hbm>>
      tpu.wait_indirect_dma semaphore(%arg7 : memref<!tpu.dma_semaphore, #tpu.memory_space<semaphore_mem>>) src(%dma_wait3A_167 : memref<1000448x32xf32, #tpu.memory_space<hbm>>) dst(%dma_wait3A_161 : memref<128x32xf32, #tpu.memory_space<vmem>>)
      %dma_wait3A_168 = arith.constant 7 : i32
      %dma_wait3A_169 = arith.constant 896 : i32
      %dma_wait3A_170 = arith.constant 0 : i32
      %dma_wait3A_171 = tpu.memref_slice %arg6[%dma_wait3A_169, %dma_wait3A_170] : memref<1024x32xf32, #tpu.memory_space<vmem>> -> memref<128x32xf32, #tpu.memory_space<vmem>>
      %dma_wait3A_172 = arith.constant 0 : i32
      %dma_wait3A_173 = tpu.memref_slice %arg5[%dma_wait3A_168, %dma_wait3A_172] : memref<8x128xi32, #tpu.memory_space<vmem>> -> memref<1x128xi32, #tpu.memory_space<vmem>>
      %dma_wait3A_174 = tpu.memref_squeeze %dma_wait3A_173 : memref<1x128xi32, #tpu.memory_space<vmem>> -> memref<128xi32, #tpu.memory_space<vmem>>
      %dma_wait3A_175 = arith.constant 0 : i32
      %dma_wait3A_176 = arith.constant 0 : i32
      %dma_wait3A_177 = tpu.memref_slice %arg2[%dma_wait3A_175, %dma_wait3A_176] : memref<1000448x32xf32, #tpu.memory_space<hbm>> -> memref<1000448x32xf32, #tpu.memory_space<hbm>>
      tpu.wait_indirect_dma semaphore(%arg7 : memref<!tpu.dma_semaphore, #tpu.memory_space<semaphore_mem>>) src(%dma_wait3A_177 : memref<1000448x32xf32, #tpu.memory_space<hbm>>) dst(%dma_wait3A_171 : memref<128x32xf32, #tpu.memory_space<vmem>>)
      %dma_start3A_178 = arith.constant 0 : i32
      %dma_start3A_179 = tpu.memref_slice %arg4[%add3A_16, %dma_start3A_178] : memref<819200x32xf32, #tpu.memory_space<hbm>> -> memref<1024x32xf32, #tpu.memory_space<hbm>>
      %dma_start3A_180 = arith.constant 0 : i32
      %dma_start3A_181 = tpu.memref_slice %arg4[%add3A_16, %dma_start3A_180] : memref<819200x32xf32, #tpu.memory_space<hbm>> -> memref<1024x32xf32, #tpu.memory_space<hbm>>
      tpu.enqueue_dma source(%arg6 : memref<1024x32xf32, #tpu.memory_space<vmem>>) target(%dma_start3A_181 : memref<1024x32xf32, #tpu.memory_space<hbm>>) target_semaphore(%arg8 : memref<!tpu.dma_semaphore, #tpu.memory_space<semaphore_mem>>)
      %dma_wait3A_182 = arith.constant 0 : i32
      %dma_wait3A_183 = tpu.memref_slice %arg4[%add3A_16, %dma_wait3A_182] : memref<819200x32xf32, #tpu.memory_space<hbm>> -> memref<1024x32xf32, #tpu.memory_space<hbm>>
      %dma_wait3A_184 = arith.constant 0 : i32
      %dma_wait3A_185 = tpu.memref_slice %arg4[%add3A_16, %dma_wait3A_184] : memref<819200x32xf32, #tpu.memory_space<hbm>> -> memref<1024x32xf32, #tpu.memory_space<hbm>>
      tpu.wait_dma2 semaphore(%arg8 : memref<!tpu.dma_semaphore, #tpu.memory_space<semaphore_mem>>) src(%arg6 : memref<1024x32xf32, #tpu.memory_space<vmem>>) dst(%dma_wait3A_185 : memref<1024x32xf32, #tpu.memory_space<hbm>>)
    }
    %scan3A_8 = arith.constant 25 : i32
    return
  }
}

module attributes {stable_mosaic.version = 14 : i64} {
  func.func @_conv_body(%arg0: i32, %arg1: memref<32x8192xf32, #tpu.memory_space<vmem>>, %arg2: memref<2048x128xf32, #tpu.memory_space<vmem>>) attributes {dimension_semantics = [#tpu.dimension_semantics<arbitrary>], iteration_bounds = array<i64: 123>, scalar_prefetch = 0 : i64, scratch_operands = 0 : i64, tpu.core_type = #tpu.core_type<tc>, window_params = [{transform_indices = @transform_0, window_bounds = array<i64: 32, 8192>}, {transform_indices = @transform_1, window_bounds = array<i64: 2048, 128>}]} {
    %get3A = arith.constant 0 : index
    %get3A_0 = arith.constant 0 : index
    %get3A_1 = vector.load %arg1[%get3A, %get3A_0] : memref<32x8192xf32, #tpu.memory_space<vmem>>, vector<32x128xf32>
    %transpose3A = tpu.transpose %get3A_1, [1, 0] : vector<32x128xf32> -> vector<128x32xf32>
    %swap3A = arith.constant 0 : index
    %swap3A_2 = arith.constant 0 : index
    %swap3A_3 = vector.load %arg2[%swap3A, %swap3A_2] : memref<2048x128xf32, #tpu.memory_space<vmem>>, vector<128x32xf32>
    tpu.vector_store %arg2[%swap3A, %swap3A_2], %transpose3A {strides = array<i32>} : memref<2048x128xf32, #tpu.memory_space<vmem>>, vector<128x32xf32>,
    %get3A_4 = arith.constant 0 : index
    %get3A_5 = arith.constant 128 : index
    %get3A_6 = vector.load %arg1[%get3A_4, %get3A_5] : memref<32x8192xf32, #tpu.memory_space<vmem>>, vector<32x128xf32>
    %transpose3A_7 = tpu.transpose %get3A_6, [1, 0] : vector<32x128xf32> -> vector<128x32xf32>
    %swap3A_8 = arith.constant 0 : index
    %swap3A_9 = arith.constant 32 : index
    %swap3A_10 = vector.load %arg2[%swap3A_8, %swap3A_9] : memref<2048x128xf32, #tpu.memory_space<vmem>>, vector<128x32xf32>
    tpu.vector_store %arg2[%swap3A_8, %swap3A_9], %transpose3A_7 {strides = array<i32>} : memref<2048x128xf32, #tpu.memory_space<vmem>>, vector<128x32xf32>,
    %get3A_11 = arith.constant 0 : index
    %get3A_12 = arith.constant 256 : index
    %get3A_13 = vector.load %arg1[%get3A_11, %get3A_12] : memref<32x8192xf32, #tpu.memory_space<vmem>>, vector<32x128xf32>
    %transpose3A_14 = tpu.transpose %get3A_13, [1, 0] : vector<32x128xf32> -> vector<128x32xf32>
    %swap3A_15 = arith.constant 0 : index
    %swap3A_16 = arith.constant 64 : index
    %swap3A_17 = vector.load %arg2[%swap3A_15, %swap3A_16] : memref<2048x128xf32, #tpu.memory_space<vmem>>, vector<128x32xf32>
    tpu.vector_store %arg2[%swap3A_15, %swap3A_16], %transpose3A_14 {strides = array<i32>} : memref<2048x128xf32, #tpu.memory_space<vmem>>, vector<128x32xf32>,
    %get3A_18 = arith.constant 0 : index
    %get3A_19 = arith.constant 384 : index
    %get3A_20 = vector.load %arg1[%get3A_18, %get3A_19] : memref<32x8192xf32, #tpu.memory_space<vmem>>, vector<32x128xf32>
    %transpose3A_21 = tpu.transpose %get3A_20, [1, 0] : vector<32x128xf32> -> vector<128x32xf32>
    %swap3A_22 = arith.constant 0 : index
    %swap3A_23 = arith.constant 96 : index
    %swap3A_24 = vector.load %arg2[%swap3A_22, %swap3A_23] : memref<2048x128xf32, #tpu.memory_space<vmem>>, vector<128x32xf32>
    tpu.vector_store %arg2[%swap3A_22, %swap3A_23], %transpose3A_21 {strides = array<i32>} : memref<2048x128xf32, #tpu.memory_space<vmem>>, vector<128x32xf32>,
    %get3A_25 = arith.constant 0 : index
    %get3A_26 = arith.constant 512 : index
    %get3A_27 = vector.load %arg1[%get3A_25, %get3A_26] : memref<32x8192xf32, #tpu.memory_space<vmem>>, vector<32x128xf32>
    %transpose3A_28 = tpu.transpose %get3A_27, [1, 0] : vector<32x128xf32> -> vector<128x32xf32>
    %swap3A_29 = arith.constant 128 : index
    %swap3A_30 = arith.constant 0 : index
    %swap3A_31 = vector.load %arg2[%swap3A_29, %swap3A_30] : memref<2048x128xf32, #tpu.memory_space<vmem>>, vector<128x32xf32>
    tpu.vector_store %arg2[%swap3A_29, %swap3A_30], %transpose3A_28 {strides = array<i32>} : memref<2048x128xf32, #tpu.memory_space<vmem>>, vector<128x32xf32>,
    %get3A_32 = arith.constant 0 : index
    %get3A_33 = arith.constant 640 : index
    %get3A_34 = vector.load %arg1[%get3A_32, %get3A_33] : memref<32x8192xf32, #tpu.memory_space<vmem>>, vector<32x128xf32>
    %transpose3A_35 = tpu.transpose %get3A_34, [1, 0] : vector<32x128xf32> -> vector<128x32xf32>
    %swap3A_36 = arith.constant 128 : index
    %swap3A_37 = arith.constant 32 : index
    %swap3A_38 = vector.load %arg2[%swap3A_36, %swap3A_37] : memref<2048x128xf32, #tpu.memory_space<vmem>>, vector<128x32xf32>
    tpu.vector_store %arg2[%swap3A_36, %swap3A_37], %transpose3A_35 {strides = array<i32>} : memref<2048x128xf32, #tpu.memory_space<vmem>>, vector<128x32xf32>,
    %get3A_39 = arith.constant 0 : index
    %get3A_40 = arith.constant 768 : index
    %get3A_41 = vector.load %arg1[%get3A_39, %get3A_40] : memref<32x8192xf32, #tpu.memory_space<vmem>>, vector<32x128xf32>
    %transpose3A_42 = tpu.transpose %get3A_41, [1, 0] : vector<32x128xf32> -> vector<128x32xf32>
    %swap3A_43 = arith.constant 128 : index
    %swap3A_44 = arith.constant 64 : index
    %swap3A_45 = vector.load %arg2[%swap3A_43, %swap3A_44] : memref<2048x128xf32, #tpu.memory_space<vmem>>, vector<128x32xf32>
    tpu.vector_store %arg2[%swap3A_43, %swap3A_44], %transpose3A_42 {strides = array<i32>} : memref<2048x128xf32, #tpu.memory_space<vmem>>, vector<128x32xf32>,
    %get3A_46 = arith.constant 0 : index
    %get3A_47 = arith.constant 896 : index
    %get3A_48 = vector.load %arg1[%get3A_46, %get3A_47] : memref<32x8192xf32, #tpu.memory_space<vmem>>, vector<32x128xf32>
    %transpose3A_49 = tpu.transpose %get3A_48, [1, 0] : vector<32x128xf32> -> vector<128x32xf32>
    %swap3A_50 = arith.constant 128 : index
    %swap3A_51 = arith.constant 96 : index
    %swap3A_52 = vector.load %arg2[%swap3A_50, %swap3A_51] : memref<2048x128xf32, #tpu.memory_space<vmem>>, vector<128x32xf32>
    tpu.vector_store %arg2[%swap3A_50, %swap3A_51], %transpose3A_49 {strides = array<i32>} : memref<2048x128xf32, #tpu.memory_space<vmem>>, vector<128x32xf32>,
    %get3A_53 = arith.constant 0 : index
    %get3A_54 = arith.constant 1024 : index
    %get3A_55 = vector.load %arg1[%get3A_53, %get3A_54] : memref<32x8192xf32, #tpu.memory_space<vmem>>, vector<32x128xf32>
    %transpose3A_56 = tpu.transpose %get3A_55, [1, 0] : vector<32x128xf32> -> vector<128x32xf32>
    %swap3A_57 = arith.constant 256 : index
    %swap3A_58 = arith.constant 0 : index
    %swap3A_59 = vector.load %arg2[%swap3A_57, %swap3A_58] : memref<2048x128xf32, #tpu.memory_space<vmem>>, vector<128x32xf32>
    tpu.vector_store %arg2[%swap3A_57, %swap3A_58], %transpose3A_56 {strides = array<i32>} : memref<2048x128xf32, #tpu.memory_space<vmem>>, vector<128x32xf32>,
    %get3A_60 = arith.constant 0 : index
    %get3A_61 = arith.constant 1152 : index
    %get3A_62 = vector.load %arg1[%get3A_60, %get3A_61] : memref<32x8192xf32, #tpu.memory_space<vmem>>, vector<32x128xf32>
    %transpose3A_63 = tpu.transpose %get3A_62, [1, 0] : vector<32x128xf32> -> vector<128x32xf32>
    %swap3A_64 = arith.constant 256 : index
    %swap3A_65 = arith.constant 32 : index
    %swap3A_66 = vector.load %arg2[%swap3A_64, %swap3A_65] : memref<2048x128xf32, #tpu.memory_space<vmem>>, vector<128x32xf32>
    tpu.vector_store %arg2[%swap3A_64, %swap3A_65], %transpose3A_63 {strides = array<i32>} : memref<2048x128xf32, #tpu.memory_space<vmem>>, vector<128x32xf32>,
    %get3A_67 = arith.constant 0 : index
    %get3A_68 = arith.constant 1280 : index
    %get3A_69 = vector.load %arg1[%get3A_67, %get3A_68] : memref<32x8192xf32, #tpu.memory_space<vmem>>, vector<32x128xf32>
    %transpose3A_70 = tpu.transpose %get3A_69, [1, 0] : vector<32x128xf32> -> vector<128x32xf32>
    %swap3A_71 = arith.constant 256 : index
    %swap3A_72 = arith.constant 64 : index
    %swap3A_73 = vector.load %arg2[%swap3A_71, %swap3A_72] : memref<2048x128xf32, #tpu.memory_space<vmem>>, vector<128x32xf32>
    tpu.vector_store %arg2[%swap3A_71, %swap3A_72], %transpose3A_70 {strides = array<i32>} : memref<2048x128xf32, #tpu.memory_space<vmem>>, vector<128x32xf32>,
    %get3A_74 = arith.constant 0 : index
    %get3A_75 = arith.constant 1408 : index
    %get3A_76 = vector.load %arg1[%get3A_74, %get3A_75] : memref<32x8192xf32, #tpu.memory_space<vmem>>, vector<32x128xf32>
    %transpose3A_77 = tpu.transpose %get3A_76, [1, 0] : vector<32x128xf32> -> vector<128x32xf32>
    %swap3A_78 = arith.constant 256 : index
    %swap3A_79 = arith.constant 96 : index
    %swap3A_80 = vector.load %arg2[%swap3A_78, %swap3A_79] : memref<2048x128xf32, #tpu.memory_space<vmem>>, vector<128x32xf32>
    tpu.vector_store %arg2[%swap3A_78, %swap3A_79], %transpose3A_77 {strides = array<i32>} : memref<2048x128xf32, #tpu.memory_space<vmem>>, vector<128x32xf32>,
    %get3A_81 = arith.constant 0 : index
    %get3A_82 = arith.constant 1536 : index
    %get3A_83 = vector.load %arg1[%get3A_81, %get3A_82] : memref<32x8192xf32, #tpu.memory_space<vmem>>, vector<32x128xf32>
    %transpose3A_84 = tpu.transpose %get3A_83, [1, 0] : vector<32x128xf32> -> vector<128x32xf32>
    %swap3A_85 = arith.constant 384 : index
    %swap3A_86 = arith.constant 0 : index
    %swap3A_87 = vector.load %arg2[%swap3A_85, %swap3A_86] : memref<2048x128xf32, #tpu.memory_space<vmem>>, vector<128x32xf32>
    tpu.vector_store %arg2[%swap3A_85, %swap3A_86], %transpose3A_84 {strides = array<i32>} : memref<2048x128xf32, #tpu.memory_space<vmem>>, vector<128x32xf32>,
    %get3A_88 = arith.constant 0 : index
    %get3A_89 = arith.constant 1664 : index
    %get3A_90 = vector.load %arg1[%get3A_88, %get3A_89] : memref<32x8192xf32, #tpu.memory_space<vmem>>, vector<32x128xf32>
    %transpose3A_91 = tpu.transpose %get3A_90, [1, 0] : vector<32x128xf32> -> vector<128x32xf32>
    %swap3A_92 = arith.constant 384 : index
    %swap3A_93 = arith.constant 32 : index
    %swap3A_94 = vector.load %arg2[%swap3A_92, %swap3A_93] : memref<2048x128xf32, #tpu.memory_space<vmem>>, vector<128x32xf32>
    tpu.vector_store %arg2[%swap3A_92, %swap3A_93], %transpose3A_91 {strides = array<i32>} : memref<2048x128xf32, #tpu.memory_space<vmem>>, vector<128x32xf32>,
    %get3A_95 = arith.constant 0 : index
    %get3A_96 = arith.constant 1792 : index
    %get3A_97 = vector.load %arg1[%get3A_95, %get3A_96] : memref<32x8192xf32, #tpu.memory_space<vmem>>, vector<32x128xf32>
    %transpose3A_98 = tpu.transpose %get3A_97, [1, 0] : vector<32x128xf32> -> vector<128x32xf32>
    %swap3A_99 = arith.constant 384 : index
    %swap3A_100 = arith.constant 64 : index
    %swap3A_101 = vector.load %arg2[%swap3A_99, %swap3A_100] : memref<2048x128xf32, #tpu.memory_space<vmem>>, vector<128x32xf32>
    tpu.vector_store %arg2[%swap3A_99, %swap3A_100], %transpose3A_98 {strides = array<i32>} : memref<2048x128xf32, #tpu.memory_space<vmem>>, vector<128x32xf32>,
    %get3A_102 = arith.constant 0 : index
    %get3A_103 = arith.constant 1920 : index
    %get3A_104 = vector.load %arg1[%get3A_102, %get3A_103] : memref<32x8192xf32, #tpu.memory_space<vmem>>, vector<32x128xf32>
    %transpose3A_105 = tpu.transpose %get3A_104, [1, 0] : vector<32x128xf32> -> vector<128x32xf32>
    %swap3A_106 = arith.constant 384 : index
    %swap3A_107 = arith.constant 96 : index
    %swap3A_108 = vector.load %arg2[%swap3A_106, %swap3A_107] : memref<2048x128xf32, #tpu.memory_space<vmem>>, vector<128x32xf32>
    tpu.vector_store %arg2[%swap3A_106, %swap3A_107], %transpose3A_105 {strides = array<i32>} : memref<2048x128xf32, #tpu.memory_space<vmem>>, vector<128x32xf32>,
    %get3A_109 = arith.constant 0 : index
    %get3A_110 = arith.constant 2048 : index
    %get3A_111 = vector.load %arg1[%get3A_109, %get3A_110] : memref<32x8192xf32, #tpu.memory_space<vmem>>, vector<32x128xf32>
    %transpose3A_112 = tpu.transpose %get3A_111, [1, 0] : vector<32x128xf32> -> vector<128x32xf32>
    %swap3A_113 = arith.constant 512 : index
    %swap3A_114 = arith.constant 0 : index
    %swap3A_115 = vector.load %arg2[%swap3A_113, %swap3A_114] : memref<2048x128xf32, #tpu.memory_space<vmem>>, vector<128x32xf32>
    tpu.vector_store %arg2[%swap3A_113, %swap3A_114], %transpose3A_112 {strides = array<i32>} : memref<2048x128xf32, #tpu.memory_space<vmem>>, vector<128x32xf32>,
    %get3A_116 = arith.constant 0 : index
    %get3A_117 = arith.constant 2176 : index
    %get3A_118 = vector.load %arg1[%get3A_116, %get3A_117] : memref<32x8192xf32, #tpu.memory_space<vmem>>, vector<32x128xf32>
    %transpose3A_119 = tpu.transpose %get3A_118, [1, 0] : vector<32x128xf32> -> vector<128x32xf32>
    %swap3A_120 = arith.constant 512 : index
    %swap3A_121 = arith.constant 32 : index
    %swap3A_122 = vector.load %arg2[%swap3A_120, %swap3A_121] : memref<2048x128xf32, #tpu.memory_space<vmem>>, vector<128x32xf32>
    tpu.vector_store %arg2[%swap3A_120, %swap3A_121], %transpose3A_119 {strides = array<i32>} : memref<2048x128xf32, #tpu.memory_space<vmem>>, vector<128x32xf32>,
    %get3A_123 = arith.constant 0 : index
    %get3A_124 = arith.constant 2304 : index
    %get3A_125 = vector.load %arg1[%get3A_123, %get3A_124] : memref<32x8192xf32, #tpu.memory_space<vmem>>, vector<32x128xf32>
    %transpose3A_126 = tpu.transpose %get3A_125, [1, 0] : vector<32x128xf32> -> vector<128x32xf32>
    %swap3A_127 = arith.constant 512 : index
    %swap3A_128 = arith.constant 64 : index
    %swap3A_129 = vector.load %arg2[%swap3A_127, %swap3A_128] : memref<2048x128xf32, #tpu.memory_space<vmem>>, vector<128x32xf32>
    tpu.vector_store %arg2[%swap3A_127, %swap3A_128], %transpose3A_126 {strides = array<i32>} : memref<2048x128xf32, #tpu.memory_space<vmem>>, vector<128x32xf32>,
    %get3A_130 = arith.constant 0 : index
    %get3A_131 = arith.constant 2432 : index
    %get3A_132 = vector.load %arg1[%get3A_130, %get3A_131] : memref<32x8192xf32, #tpu.memory_space<vmem>>, vector<32x128xf32>
    %transpose3A_133 = tpu.transpose %get3A_132, [1, 0] : vector<32x128xf32> -> vector<128x32xf32>
    %swap3A_134 = arith.constant 512 : index
    %swap3A_135 = arith.constant 96 : index
    %swap3A_136 = vector.load %arg2[%swap3A_134, %swap3A_135] : memref<2048x128xf32, #tpu.memory_space<vmem>>, vector<128x32xf32>
    tpu.vector_store %arg2[%swap3A_134, %swap3A_135], %transpose3A_133 {strides = array<i32>} : memref<2048x128xf32, #tpu.memory_space<vmem>>, vector<128x32xf32>,
    %get3A_137 = arith.constant 0 : index
    %get3A_138 = arith.constant 2560 : index
    %get3A_139 = vector.load %arg1[%get3A_137, %get3A_138] : memref<32x8192xf32, #tpu.memory_space<vmem>>, vector<32x128xf32>
    %transpose3A_140 = tpu.transpose %get3A_139, [1, 0] : vector<32x128xf32> -> vector<128x32xf32>
    %swap3A_141 = arith.constant 640 : index
    %swap3A_142 = arith.constant 0 : index
    %swap3A_143 = vector.load %arg2[%swap3A_141, %swap3A_142] : memref<2048x128xf32, #tpu.memory_space<vmem>>, vector<128x32xf32>
    tpu.vector_store %arg2[%swap3A_141, %swap3A_142], %transpose3A_140 {strides = array<i32>} : memref<2048x128xf32, #tpu.memory_space<vmem>>, vector<128x32xf32>,
    %get3A_144 = arith.constant 0 : index
    %get3A_145 = arith.constant 2688 : index
    %get3A_146 = vector.load %arg1[%get3A_144, %get3A_145] : memref<32x8192xf32, #tpu.memory_space<vmem>>, vector<32x128xf32>
    %transpose3A_147 = tpu.transpose %get3A_146, [1, 0] : vector<32x128xf32> -> vector<128x32xf32>
    %swap3A_148 = arith.constant 640 : index
    %swap3A_149 = arith.constant 32 : index
    %swap3A_150 = vector.load %arg2[%swap3A_148, %swap3A_149] : memref<2048x128xf32, #tpu.memory_space<vmem>>, vector<128x32xf32>
    tpu.vector_store %arg2[%swap3A_148, %swap3A_149], %transpose3A_147 {strides = array<i32>} : memref<2048x128xf32, #tpu.memory_space<vmem>>, vector<128x32xf32>,
    %get3A_151 = arith.constant 0 : index
    %get3A_152 = arith.constant 2816 : index
    %get3A_153 = vector.load %arg1[%get3A_151, %get3A_152] : memref<32x8192xf32, #tpu.memory_space<vmem>>, vector<32x128xf32>
    %transpose3A_154 = tpu.transpose %get3A_153, [1, 0] : vector<32x128xf32> -> vector<128x32xf32>
    %swap3A_155 = arith.constant 640 : index
    %swap3A_156 = arith.constant 64 : index
    %swap3A_157 = vector.load %arg2[%swap3A_155, %swap3A_156] : memref<2048x128xf32, #tpu.memory_space<vmem>>, vector<128x32xf32>
    tpu.vector_store %arg2[%swap3A_155, %swap3A_156], %transpose3A_154 {strides = array<i32>} : memref<2048x128xf32, #tpu.memory_space<vmem>>, vector<128x32xf32>,
    %get3A_158 = arith.constant 0 : index
    %get3A_159 = arith.constant 2944 : index
    %get3A_160 = vector.load %arg1[%get3A_158, %get3A_159] : memref<32x8192xf32, #tpu.memory_space<vmem>>, vector<32x128xf32>
    %transpose3A_161 = tpu.transpose %get3A_160, [1, 0] : vector<32x128xf32> -> vector<128x32xf32>
    %swap3A_162 = arith.constant 640 : index
    %swap3A_163 = arith.constant 96 : index
    %swap3A_164 = vector.load %arg2[%swap3A_162, %swap3A_163] : memref<2048x128xf32, #tpu.memory_space<vmem>>, vector<128x32xf32>
    tpu.vector_store %arg2[%swap3A_162, %swap3A_163], %transpose3A_161 {strides = array<i32>} : memref<2048x128xf32, #tpu.memory_space<vmem>>, vector<128x32xf32>,
    %get3A_165 = arith.constant 0 : index
    %get3A_166 = arith.constant 3072 : index
    %get3A_167 = vector.load %arg1[%get3A_165, %get3A_166] : memref<32x8192xf32, #tpu.memory_space<vmem>>, vector<32x128xf32>
    %transpose3A_168 = tpu.transpose %get3A_167, [1, 0] : vector<32x128xf32> -> vector<128x32xf32>
    %swap3A_169 = arith.constant 768 : index
    %swap3A_170 = arith.constant 0 : index
    %swap3A_171 = vector.load %arg2[%swap3A_169, %swap3A_170] : memref<2048x128xf32, #tpu.memory_space<vmem>>, vector<128x32xf32>
    tpu.vector_store %arg2[%swap3A_169, %swap3A_170], %transpose3A_168 {strides = array<i32>} : memref<2048x128xf32, #tpu.memory_space<vmem>>, vector<128x32xf32>,
    %get3A_172 = arith.constant 0 : index
    %get3A_173 = arith.constant 3200 : index
    %get3A_174 = vector.load %arg1[%get3A_172, %get3A_173] : memref<32x8192xf32, #tpu.memory_space<vmem>>, vector<32x128xf32>
    %transpose3A_175 = tpu.transpose %get3A_174, [1, 0] : vector<32x128xf32> -> vector<128x32xf32>
    %swap3A_176 = arith.constant 768 : index
    %swap3A_177 = arith.constant 32 : index
    %swap3A_178 = vector.load %arg2[%swap3A_176, %swap3A_177] : memref<2048x128xf32, #tpu.memory_space<vmem>>, vector<128x32xf32>
    tpu.vector_store %arg2[%swap3A_176, %swap3A_177], %transpose3A_175 {strides = array<i32>} : memref<2048x128xf32, #tpu.memory_space<vmem>>, vector<128x32xf32>,
    %get3A_179 = arith.constant 0 : index
    %get3A_180 = arith.constant 3328 : index
    %get3A_181 = vector.load %arg1[%get3A_179, %get3A_180] : memref<32x8192xf32, #tpu.memory_space<vmem>>, vector<32x128xf32>
    %transpose3A_182 = tpu.transpose %get3A_181, [1, 0] : vector<32x128xf32> -> vector<128x32xf32>
    %swap3A_183 = arith.constant 768 : index
    %swap3A_184 = arith.constant 64 : index
    %swap3A_185 = vector.load %arg2[%swap3A_183, %swap3A_184] : memref<2048x128xf32, #tpu.memory_space<vmem>>, vector<128x32xf32>
    tpu.vector_store %arg2[%swap3A_183, %swap3A_184], %transpose3A_182 {strides = array<i32>} : memref<2048x128xf32, #tpu.memory_space<vmem>>, vector<128x32xf32>,
    %get3A_186 = arith.constant 0 : index
    %get3A_187 = arith.constant 3456 : index
    %get3A_188 = vector.load %arg1[%get3A_186, %get3A_187] : memref<32x8192xf32, #tpu.memory_space<vmem>>, vector<32x128xf32>
    %transpose3A_189 = tpu.transpose %get3A_188, [1, 0] : vector<32x128xf32> -> vector<128x32xf32>
    %swap3A_190 = arith.constant 768 : index
    %swap3A_191 = arith.constant 96 : index
    %swap3A_192 = vector.load %arg2[%swap3A_190, %swap3A_191] : memref<2048x128xf32, #tpu.memory_space<vmem>>, vector<128x32xf32>
    tpu.vector_store %arg2[%swap3A_190, %swap3A_191], %transpose3A_189 {strides = array<i32>} : memref<2048x128xf32, #tpu.memory_space<vmem>>, vector<128x32xf32>,
    %get3A_193 = arith.constant 0 : index
    %get3A_194 = arith.constant 3584 : index
    %get3A_195 = vector.load %arg1[%get3A_193, %get3A_194] : memref<32x8192xf32, #tpu.memory_space<vmem>>, vector<32x128xf32>
    %transpose3A_196 = tpu.transpose %get3A_195, [1, 0] : vector<32x128xf32> -> vector<128x32xf32>
    %swap3A_197 = arith.constant 896 : index
    %swap3A_198 = arith.constant 0 : index
    %swap3A_199 = vector.load %arg2[%swap3A_197, %swap3A_198] : memref<2048x128xf32, #tpu.memory_space<vmem>>, vector<128x32xf32>
    tpu.vector_store %arg2[%swap3A_197, %swap3A_198], %transpose3A_196 {strides = array<i32>} : memref<2048x128xf32, #tpu.memory_space<vmem>>, vector<128x32xf32>,
    %get3A_200 = arith.constant 0 : index
    %get3A_201 = arith.constant 3712 : index
    %get3A_202 = vector.load %arg1[%get3A_200, %get3A_201] : memref<32x8192xf32, #tpu.memory_space<vmem>>, vector<32x128xf32>
    %transpose3A_203 = tpu.transpose %get3A_202, [1, 0] : vector<32x128xf32> -> vector<128x32xf32>
    %swap3A_204 = arith.constant 896 : index
    %swap3A_205 = arith.constant 32 : index
    %swap3A_206 = vector.load %arg2[%swap3A_204, %swap3A_205] : memref<2048x128xf32, #tpu.memory_space<vmem>>, vector<128x32xf32>
    tpu.vector_store %arg2[%swap3A_204, %swap3A_205], %transpose3A_203 {strides = array<i32>} : memref<2048x128xf32, #tpu.memory_space<vmem>>, vector<128x32xf32>,
    %get3A_207 = arith.constant 0 : index
    %get3A_208 = arith.constant 3840 : index
    %get3A_209 = vector.load %arg1[%get3A_207, %get3A_208] : memref<32x8192xf32, #tpu.memory_space<vmem>>, vector<32x128xf32>
    %transpose3A_210 = tpu.transpose %get3A_209, [1, 0] : vector<32x128xf32> -> vector<128x32xf32>
    %swap3A_211 = arith.constant 896 : index
    %swap3A_212 = arith.constant 64 : index
    %swap3A_213 = vector.load %arg2[%swap3A_211, %swap3A_212] : memref<2048x128xf32, #tpu.memory_space<vmem>>, vector<128x32xf32>
    tpu.vector_store %arg2[%swap3A_211, %swap3A_212], %transpose3A_210 {strides = array<i32>} : memref<2048x128xf32, #tpu.memory_space<vmem>>, vector<128x32xf32>,
    %get3A_214 = arith.constant 0 : index
    %get3A_215 = arith.constant 3968 : index
    %get3A_216 = vector.load %arg1[%get3A_214, %get3A_215] : memref<32x8192xf32, #tpu.memory_space<vmem>>, vector<32x128xf32>
    %transpose3A_217 = tpu.transpose %get3A_216, [1, 0] : vector<32x128xf32> -> vector<128x32xf32>
    %swap3A_218 = arith.constant 896 : index
    %swap3A_219 = arith.constant 96 : index
    %swap3A_220 = vector.load %arg2[%swap3A_218, %swap3A_219] : memref<2048x128xf32, #tpu.memory_space<vmem>>, vector<128x32xf32>
    tpu.vector_store %arg2[%swap3A_218, %swap3A_219], %transpose3A_217 {strides = array<i32>} : memref<2048x128xf32, #tpu.memory_space<vmem>>, vector<128x32xf32>,
    %get3A_221 = arith.constant 0 : index
    %get3A_222 = arith.constant 4096 : index
    %get3A_223 = vector.load %arg1[%get3A_221, %get3A_222] : memref<32x8192xf32, #tpu.memory_space<vmem>>, vector<32x128xf32>
    %transpose3A_224 = tpu.transpose %get3A_223, [1, 0] : vector<32x128xf32> -> vector<128x32xf32>
    %swap3A_225 = arith.constant 1024 : index
    %swap3A_226 = arith.constant 0 : index
    %swap3A_227 = vector.load %arg2[%swap3A_225, %swap3A_226] : memref<2048x128xf32, #tpu.memory_space<vmem>>, vector<128x32xf32>
    tpu.vector_store %arg2[%swap3A_225, %swap3A_226], %transpose3A_224 {strides = array<i32>} : memref<2048x128xf32, #tpu.memory_space<vmem>>, vector<128x32xf32>,
    %get3A_228 = arith.constant 0 : index
    %get3A_229 = arith.constant 4224 : index
    %get3A_230 = vector.load %arg1[%get3A_228, %get3A_229] : memref<32x8192xf32, #tpu.memory_space<vmem>>, vector<32x128xf32>
    %transpose3A_231 = tpu.transpose %get3A_230, [1, 0] : vector<32x128xf32> -> vector<128x32xf32>
    %swap3A_232 = arith.constant 1024 : index
    %swap3A_233 = arith.constant 32 : index
    %swap3A_234 = vector.load %arg2[%swap3A_232, %swap3A_233] : memref<2048x128xf32, #tpu.memory_space<vmem>>, vector<128x32xf32>
    tpu.vector_store %arg2[%swap3A_232, %swap3A_233], %transpose3A_231 {strides = array<i32>} : memref<2048x128xf32, #tpu.memory_space<vmem>>, vector<128x32xf32>,
    %get3A_235 = arith.constant 0 : index
    %get3A_236 = arith.constant 4352 : index
    %get3A_237 = vector.load %arg1[%get3A_235, %get3A_236] : memref<32x8192xf32, #tpu.memory_space<vmem>>, vector<32x128xf32>
    %transpose3A_238 = tpu.transpose %get3A_237, [1, 0] : vector<32x128xf32> -> vector<128x32xf32>
    %swap3A_239 = arith.constant 1024 : index
    %swap3A_240 = arith.constant 64 : index
    %swap3A_241 = vector.load %arg2[%swap3A_239, %swap3A_240] : memref<2048x128xf32, #tpu.memory_space<vmem>>, vector<128x32xf32>
    tpu.vector_store %arg2[%swap3A_239, %swap3A_240], %transpose3A_238 {strides = array<i32>} : memref<2048x128xf32, #tpu.memory_space<vmem>>, vector<128x32xf32>,
    %get3A_242 = arith.constant 0 : index
    %get3A_243 = arith.constant 4480 : index
    %get3A_244 = vector.load %arg1[%get3A_242, %get3A_243] : memref<32x8192xf32, #tpu.memory_space<vmem>>, vector<32x128xf32>
    %transpose3A_245 = tpu.transpose %get3A_244, [1, 0] : vector<32x128xf32> -> vector<128x32xf32>
    %swap3A_246 = arith.constant 1024 : index
    %swap3A_247 = arith.constant 96 : index
    %swap3A_248 = vector.load %arg2[%swap3A_246, %swap3A_247] : memref<2048x128xf32, #tpu.memory_space<vmem>>, vector<128x32xf32>
    tpu.vector_store %arg2[%swap3A_246, %swap3A_247], %transpose3A_245 {strides = array<i32>} : memref<2048x128xf32, #tpu.memory_space<vmem>>, vector<128x32xf32>,
    %get3A_249 = arith.constant 0 : index
    %get3A_250 = arith.constant 4608 : index
    %get3A_251 = vector.load %arg1[%get3A_249, %get3A_250] : memref<32x8192xf32, #tpu.memory_space<vmem>>, vector<32x128xf32>
    %transpose3A_252 = tpu.transpose %get3A_251, [1, 0] : vector<32x128xf32> -> vector<128x32xf32>
    %swap3A_253 = arith.constant 1152 : index
    %swap3A_254 = arith.constant 0 : index
    %swap3A_255 = vector.load %arg2[%swap3A_253, %swap3A_254] : memref<2048x128xf32, #tpu.memory_space<vmem>>, vector<128x32xf32>
    tpu.vector_store %arg2[%swap3A_253, %swap3A_254], %transpose3A_252 {strides = array<i32>} : memref<2048x128xf32, #tpu.memory_space<vmem>>, vector<128x32xf32>,
    %get3A_256 = arith.constant 0 : index
    %get3A_257 = arith.constant 4736 : index
    %get3A_258 = vector.load %arg1[%get3A_256, %get3A_257] : memref<32x8192xf32, #tpu.memory_space<vmem>>, vector<32x128xf32>
    %transpose3A_259 = tpu.transpose %get3A_258, [1, 0] : vector<32x128xf32> -> vector<128x32xf32>
    %swap3A_260 = arith.constant 1152 : index
    %swap3A_261 = arith.constant 32 : index
    %swap3A_262 = vector.load %arg2[%swap3A_260, %swap3A_261] : memref<2048x128xf32, #tpu.memory_space<vmem>>, vector<128x32xf32>
    tpu.vector_store %arg2[%swap3A_260, %swap3A_261], %transpose3A_259 {strides = array<i32>} : memref<2048x128xf32, #tpu.memory_space<vmem>>, vector<128x32xf32>,
    %get3A_263 = arith.constant 0 : index
    %get3A_264 = arith.constant 4864 : index
    %get3A_265 = vector.load %arg1[%get3A_263, %get3A_264] : memref<32x8192xf32, #tpu.memory_space<vmem>>, vector<32x128xf32>
    %transpose3A_266 = tpu.transpose %get3A_265, [1, 0] : vector<32x128xf32> -> vector<128x32xf32>
    %swap3A_267 = arith.constant 1152 : index
    %swap3A_268 = arith.constant 64 : index
    %swap3A_269 = vector.load %arg2[%swap3A_267, %swap3A_268] : memref<2048x128xf32, #tpu.memory_space<vmem>>, vector<128x32xf32>
    tpu.vector_store %arg2[%swap3A_267, %swap3A_268], %transpose3A_266 {strides = array<i32>} : memref<2048x128xf32, #tpu.memory_space<vmem>>, vector<128x32xf32>,
    %get3A_270 = arith.constant 0 : index
    %get3A_271 = arith.constant 4992 : index
    %get3A_272 = vector.load %arg1[%get3A_270, %get3A_271] : memref<32x8192xf32, #tpu.memory_space<vmem>>, vector<32x128xf32>
    %transpose3A_273 = tpu.transpose %get3A_272, [1, 0] : vector<32x128xf32> -> vector<128x32xf32>
    %swap3A_274 = arith.constant 1152 : index
    %swap3A_275 = arith.constant 96 : index
    %swap3A_276 = vector.load %arg2[%swap3A_274, %swap3A_275] : memref<2048x128xf32, #tpu.memory_space<vmem>>, vector<128x32xf32>
    tpu.vector_store %arg2[%swap3A_274, %swap3A_275], %transpose3A_273 {strides = array<i32>} : memref<2048x128xf32, #tpu.memory_space<vmem>>, vector<128x32xf32>,
    %get3A_277 = arith.constant 0 : index
    %get3A_278 = arith.constant 5120 : index
    %get3A_279 = vector.load %arg1[%get3A_277, %get3A_278] : memref<32x8192xf32, #tpu.memory_space<vmem>>, vector<32x128xf32>
    %transpose3A_280 = tpu.transpose %get3A_279, [1, 0] : vector<32x128xf32> -> vector<128x32xf32>
    %swap3A_281 = arith.constant 1280 : index
    %swap3A_282 = arith.constant 0 : index
    %swap3A_283 = vector.load %arg2[%swap3A_281, %swap3A_282] : memref<2048x128xf32, #tpu.memory_space<vmem>>, vector<128x32xf32>
    tpu.vector_store %arg2[%swap3A_281, %swap3A_282], %transpose3A_280 {strides = array<i32>} : memref<2048x128xf32, #tpu.memory_space<vmem>>, vector<128x32xf32>,
    %get3A_284 = arith.constant 0 : index
    %get3A_285 = arith.constant 5248 : index
    %get3A_286 = vector.load %arg1[%get3A_284, %get3A_285] : memref<32x8192xf32, #tpu.memory_space<vmem>>, vector<32x128xf32>
    %transpose3A_287 = tpu.transpose %get3A_286, [1, 0] : vector<32x128xf32> -> vector<128x32xf32>
    %swap3A_288 = arith.constant 1280 : index
    %swap3A_289 = arith.constant 32 : index
    %swap3A_290 = vector.load %arg2[%swap3A_288, %swap3A_289] : memref<2048x128xf32, #tpu.memory_space<vmem>>, vector<128x32xf32>
    tpu.vector_store %arg2[%swap3A_288, %swap3A_289], %transpose3A_287 {strides = array<i32>} : memref<2048x128xf32, #tpu.memory_space<vmem>>, vector<128x32xf32>,
    %get3A_291 = arith.constant 0 : index
    %get3A_292 = arith.constant 5376 : index
    %get3A_293 = vector.load %arg1[%get3A_291, %get3A_292] : memref<32x8192xf32, #tpu.memory_space<vmem>>, vector<32x128xf32>
    %transpose3A_294 = tpu.transpose %get3A_293, [1, 0] : vector<32x128xf32> -> vector<128x32xf32>
    %swap3A_295 = arith.constant 1280 : index
    %swap3A_296 = arith.constant 64 : index
    %swap3A_297 = vector.load %arg2[%swap3A_295, %swap3A_296] : memref<2048x128xf32, #tpu.memory_space<vmem>>, vector<128x32xf32>
    tpu.vector_store %arg2[%swap3A_295, %swap3A_296], %transpose3A_294 {strides = array<i32>} : memref<2048x128xf32, #tpu.memory_space<vmem>>, vector<128x32xf32>,
    %get3A_298 = arith.constant 0 : index
    %get3A_299 = arith.constant 5504 : index
    %get3A_300 = vector.load %arg1[%get3A_298, %get3A_299] : memref<32x8192xf32, #tpu.memory_space<vmem>>, vector<32x128xf32>
    %transpose3A_301 = tpu.transpose %get3A_300, [1, 0] : vector<32x128xf32> -> vector<128x32xf32>
    %swap3A_302 = arith.constant 1280 : index
    %swap3A_303 = arith.constant 96 : index
    %swap3A_304 = vector.load %arg2[%swap3A_302, %swap3A_303] : memref<2048x128xf32, #tpu.memory_space<vmem>>, vector<128x32xf32>
    tpu.vector_store %arg2[%swap3A_302, %swap3A_303], %transpose3A_301 {strides = array<i32>} : memref<2048x128xf32, #tpu.memory_space<vmem>>, vector<128x32xf32>,
    %get3A_305 = arith.constant 0 : index
    %get3A_306 = arith.constant 5632 : index
    %get3A_307 = vector.load %arg1[%get3A_305, %get3A_306] : memref<32x8192xf32, #tpu.memory_space<vmem>>, vector<32x128xf32>
    %transpose3A_308 = tpu.transpose %get3A_307, [1, 0] : vector<32x128xf32> -> vector<128x32xf32>
    %swap3A_309 = arith.constant 1408 : index
    %swap3A_310 = arith.constant 0 : index
    %swap3A_311 = vector.load %arg2[%swap3A_309, %swap3A_310] : memref<2048x128xf32, #tpu.memory_space<vmem>>, vector<128x32xf32>
    tpu.vector_store %arg2[%swap3A_309, %swap3A_310], %transpose3A_308 {strides = array<i32>} : memref<2048x128xf32, #tpu.memory_space<vmem>>, vector<128x32xf32>,
    %get3A_312 = arith.constant 0 : index
    %get3A_313 = arith.constant 5760 : index
    %get3A_314 = vector.load %arg1[%get3A_312, %get3A_313] : memref<32x8192xf32, #tpu.memory_space<vmem>>, vector<32x128xf32>
    %transpose3A_315 = tpu.transpose %get3A_314, [1, 0] : vector<32x128xf32> -> vector<128x32xf32>
    %swap3A_316 = arith.constant 1408 : index
    %swap3A_317 = arith.constant 32 : index
    %swap3A_318 = vector.load %arg2[%swap3A_316, %swap3A_317] : memref<2048x128xf32, #tpu.memory_space<vmem>>, vector<128x32xf32>
    tpu.vector_store %arg2[%swap3A_316, %swap3A_317], %transpose3A_315 {strides = array<i32>} : memref<2048x128xf32, #tpu.memory_space<vmem>>, vector<128x32xf32>,
    %get3A_319 = arith.constant 0 : index
    %get3A_320 = arith.constant 5888 : index
    %get3A_321 = vector.load %arg1[%get3A_319, %get3A_320] : memref<32x8192xf32, #tpu.memory_space<vmem>>, vector<32x128xf32>
    %transpose3A_322 = tpu.transpose %get3A_321, [1, 0] : vector<32x128xf32> -> vector<128x32xf32>
    %swap3A_323 = arith.constant 1408 : index
    %swap3A_324 = arith.constant 64 : index
    %swap3A_325 = vector.load %arg2[%swap3A_323, %swap3A_324] : memref<2048x128xf32, #tpu.memory_space<vmem>>, vector<128x32xf32>
    tpu.vector_store %arg2[%swap3A_323, %swap3A_324], %transpose3A_322 {strides = array<i32>} : memref<2048x128xf32, #tpu.memory_space<vmem>>, vector<128x32xf32>,
    %get3A_326 = arith.constant 0 : index
    %get3A_327 = arith.constant 6016 : index
    %get3A_328 = vector.load %arg1[%get3A_326, %get3A_327] : memref<32x8192xf32, #tpu.memory_space<vmem>>, vector<32x128xf32>
    %transpose3A_329 = tpu.transpose %get3A_328, [1, 0] : vector<32x128xf32> -> vector<128x32xf32>
    %swap3A_330 = arith.constant 1408 : index
    %swap3A_331 = arith.constant 96 : index
    %swap3A_332 = vector.load %arg2[%swap3A_330, %swap3A_331] : memref<2048x128xf32, #tpu.memory_space<vmem>>, vector<128x32xf32>
    tpu.vector_store %arg2[%swap3A_330, %swap3A_331], %transpose3A_329 {strides = array<i32>} : memref<2048x128xf32, #tpu.memory_space<vmem>>, vector<128x32xf32>,
    %get3A_333 = arith.constant 0 : index
    %get3A_334 = arith.constant 6144 : index
    %get3A_335 = vector.load %arg1[%get3A_333, %get3A_334] : memref<32x8192xf32, #tpu.memory_space<vmem>>, vector<32x128xf32>
    %transpose3A_336 = tpu.transpose %get3A_335, [1, 0] : vector<32x128xf32> -> vector<128x32xf32>
    %swap3A_337 = arith.constant 1536 : index
    %swap3A_338 = arith.constant 0 : index
    %swap3A_339 = vector.load %arg2[%swap3A_337, %swap3A_338] : memref<2048x128xf32, #tpu.memory_space<vmem>>, vector<128x32xf32>
    tpu.vector_store %arg2[%swap3A_337, %swap3A_338], %transpose3A_336 {strides = array<i32>} : memref<2048x128xf32, #tpu.memory_space<vmem>>, vector<128x32xf32>,
    %get3A_340 = arith.constant 0 : index
    %get3A_341 = arith.constant 6272 : index
    %get3A_342 = vector.load %arg1[%get3A_340, %get3A_341] : memref<32x8192xf32, #tpu.memory_space<vmem>>, vector<32x128xf32>
    %transpose3A_343 = tpu.transpose %get3A_342, [1, 0] : vector<32x128xf32> -> vector<128x32xf32>
    %swap3A_344 = arith.constant 1536 : index
    %swap3A_345 = arith.constant 32 : index
    %swap3A_346 = vector.load %arg2[%swap3A_344, %swap3A_345] : memref<2048x128xf32, #tpu.memory_space<vmem>>, vector<128x32xf32>
    tpu.vector_store %arg2[%swap3A_344, %swap3A_345], %transpose3A_343 {strides = array<i32>} : memref<2048x128xf32, #tpu.memory_space<vmem>>, vector<128x32xf32>,
    %get3A_347 = arith.constant 0 : index
    %get3A_348 = arith.constant 6400 : index
    %get3A_349 = vector.load %arg1[%get3A_347, %get3A_348] : memref<32x8192xf32, #tpu.memory_space<vmem>>, vector<32x128xf32>
    %transpose3A_350 = tpu.transpose %get3A_349, [1, 0] : vector<32x128xf32> -> vector<128x32xf32>
    %swap3A_351 = arith.constant 1536 : index
    %swap3A_352 = arith.constant 64 : index
    %swap3A_353 = vector.load %arg2[%swap3A_351, %swap3A_352] : memref<2048x128xf32, #tpu.memory_space<vmem>>, vector<128x32xf32>
    tpu.vector_store %arg2[%swap3A_351, %swap3A_352], %transpose3A_350 {strides = array<i32>} : memref<2048x128xf32, #tpu.memory_space<vmem>>, vector<128x32xf32>,
    %get3A_354 = arith.constant 0 : index
    %get3A_355 = arith.constant 6528 : index
    %get3A_356 = vector.load %arg1[%get3A_354, %get3A_355] : memref<32x8192xf32, #tpu.memory_space<vmem>>, vector<32x128xf32>
    %transpose3A_357 = tpu.transpose %get3A_356, [1, 0] : vector<32x128xf32> -> vector<128x32xf32>
    %swap3A_358 = arith.constant 1536 : index
    %swap3A_359 = arith.constant 96 : index
    %swap3A_360 = vector.load %arg2[%swap3A_358, %swap3A_359] : memref<2048x128xf32, #tpu.memory_space<vmem>>, vector<128x32xf32>
    tpu.vector_store %arg2[%swap3A_358, %swap3A_359], %transpose3A_357 {strides = array<i32>} : memref<2048x128xf32, #tpu.memory_space<vmem>>, vector<128x32xf32>,
    %get3A_361 = arith.constant 0 : index
    %get3A_362 = arith.constant 6656 : index
    %get3A_363 = vector.load %arg1[%get3A_361, %get3A_362] : memref<32x8192xf32, #tpu.memory_space<vmem>>, vector<32x128xf32>
    %transpose3A_364 = tpu.transpose %get3A_363, [1, 0] : vector<32x128xf32> -> vector<128x32xf32>
    %swap3A_365 = arith.constant 1664 : index
    %swap3A_366 = arith.constant 0 : index
    %swap3A_367 = vector.load %arg2[%swap3A_365, %swap3A_366] : memref<2048x128xf32, #tpu.memory_space<vmem>>, vector<128x32xf32>
    tpu.vector_store %arg2[%swap3A_365, %swap3A_366], %transpose3A_364 {strides = array<i32>} : memref<2048x128xf32, #tpu.memory_space<vmem>>, vector<128x32xf32>,
    %get3A_368 = arith.constant 0 : index
    %get3A_369 = arith.constant 6784 : index
    %get3A_370 = vector.load %arg1[%get3A_368, %get3A_369] : memref<32x8192xf32, #tpu.memory_space<vmem>>, vector<32x128xf32>
    %transpose3A_371 = tpu.transpose %get3A_370, [1, 0] : vector<32x128xf32> -> vector<128x32xf32>
    %swap3A_372 = arith.constant 1664 : index
    %swap3A_373 = arith.constant 32 : index
    %swap3A_374 = vector.load %arg2[%swap3A_372, %swap3A_373] : memref<2048x128xf32, #tpu.memory_space<vmem>>, vector<128x32xf32>
    tpu.vector_store %arg2[%swap3A_372, %swap3A_373], %transpose3A_371 {strides = array<i32>} : memref<2048x128xf32, #tpu.memory_space<vmem>>, vector<128x32xf32>,
    %get3A_375 = arith.constant 0 : index
    %get3A_376 = arith.constant 6912 : index
    %get3A_377 = vector.load %arg1[%get3A_375, %get3A_376] : memref<32x8192xf32, #tpu.memory_space<vmem>>, vector<32x128xf32>
    %transpose3A_378 = tpu.transpose %get3A_377, [1, 0] : vector<32x128xf32> -> vector<128x32xf32>
    %swap3A_379 = arith.constant 1664 : index
    %swap3A_380 = arith.constant 64 : index
    %swap3A_381 = vector.load %arg2[%swap3A_379, %swap3A_380] : memref<2048x128xf32, #tpu.memory_space<vmem>>, vector<128x32xf32>
    tpu.vector_store %arg2[%swap3A_379, %swap3A_380], %transpose3A_378 {strides = array<i32>} : memref<2048x128xf32, #tpu.memory_space<vmem>>, vector<128x32xf32>,
    %get3A_382 = arith.constant 0 : index
    %get3A_383 = arith.constant 7040 : index
    %get3A_384 = vector.load %arg1[%get3A_382, %get3A_383] : memref<32x8192xf32, #tpu.memory_space<vmem>>, vector<32x128xf32>
    %transpose3A_385 = tpu.transpose %get3A_384, [1, 0] : vector<32x128xf32> -> vector<128x32xf32>
    %swap3A_386 = arith.constant 1664 : index
    %swap3A_387 = arith.constant 96 : index
    %swap3A_388 = vector.load %arg2[%swap3A_386, %swap3A_387] : memref<2048x128xf32, #tpu.memory_space<vmem>>, vector<128x32xf32>
    tpu.vector_store %arg2[%swap3A_386, %swap3A_387], %transpose3A_385 {strides = array<i32>} : memref<2048x128xf32, #tpu.memory_space<vmem>>, vector<128x32xf32>,
    %get3A_389 = arith.constant 0 : index
    %get3A_390 = arith.constant 7168 : index
    %get3A_391 = vector.load %arg1[%get3A_389, %get3A_390] : memref<32x8192xf32, #tpu.memory_space<vmem>>, vector<32x128xf32>
    %transpose3A_392 = tpu.transpose %get3A_391, [1, 0] : vector<32x128xf32> -> vector<128x32xf32>
    %swap3A_393 = arith.constant 1792 : index
    %swap3A_394 = arith.constant 0 : index
    %swap3A_395 = vector.load %arg2[%swap3A_393, %swap3A_394] : memref<2048x128xf32, #tpu.memory_space<vmem>>, vector<128x32xf32>
    tpu.vector_store %arg2[%swap3A_393, %swap3A_394], %transpose3A_392 {strides = array<i32>} : memref<2048x128xf32, #tpu.memory_space<vmem>>, vector<128x32xf32>,
    %get3A_396 = arith.constant 0 : index
    %get3A_397 = arith.constant 7296 : index
    %get3A_398 = vector.load %arg1[%get3A_396, %get3A_397] : memref<32x8192xf32, #tpu.memory_space<vmem>>, vector<32x128xf32>
    %transpose3A_399 = tpu.transpose %get3A_398, [1, 0] : vector<32x128xf32> -> vector<128x32xf32>
    %swap3A_400 = arith.constant 1792 : index
    %swap3A_401 = arith.constant 32 : index
    %swap3A_402 = vector.load %arg2[%swap3A_400, %swap3A_401] : memref<2048x128xf32, #tpu.memory_space<vmem>>, vector<128x32xf32>
    tpu.vector_store %arg2[%swap3A_400, %swap3A_401], %transpose3A_399 {strides = array<i32>} : memref<2048x128xf32, #tpu.memory_space<vmem>>, vector<128x32xf32>,
    %get3A_403 = arith.constant 0 : index
    %get3A_404 = arith.constant 7424 : index
    %get3A_405 = vector.load %arg1[%get3A_403, %get3A_404] : memref<32x8192xf32, #tpu.memory_space<vmem>>, vector<32x128xf32>
    %transpose3A_406 = tpu.transpose %get3A_405, [1, 0] : vector<32x128xf32> -> vector<128x32xf32>
    %swap3A_407 = arith.constant 1792 : index
    %swap3A_408 = arith.constant 64 : index
    %swap3A_409 = vector.load %arg2[%swap3A_407, %swap3A_408] : memref<2048x128xf32, #tpu.memory_space<vmem>>, vector<128x32xf32>
    tpu.vector_store %arg2[%swap3A_407, %swap3A_408], %transpose3A_406 {strides = array<i32>} : memref<2048x128xf32, #tpu.memory_space<vmem>>, vector<128x32xf32>,
    %get3A_410 = arith.constant 0 : index
    %get3A_411 = arith.constant 7552 : index
    %get3A_412 = vector.load %arg1[%get3A_410, %get3A_411] : memref<32x8192xf32, #tpu.memory_space<vmem>>, vector<32x128xf32>
    %transpose3A_413 = tpu.transpose %get3A_412, [1, 0] : vector<32x128xf32> -> vector<128x32xf32>
    %swap3A_414 = arith.constant 1792 : index
    %swap3A_415 = arith.constant 96 : index
    %swap3A_416 = vector.load %arg2[%swap3A_414, %swap3A_415] : memref<2048x128xf32, #tpu.memory_space<vmem>>, vector<128x32xf32>
    tpu.vector_store %arg2[%swap3A_414, %swap3A_415], %transpose3A_413 {strides = array<i32>} : memref<2048x128xf32, #tpu.memory_space<vmem>>, vector<128x32xf32>,
    %get3A_417 = arith.constant 0 : index
    %get3A_418 = arith.constant 7680 : index
    %get3A_419 = vector.load %arg1[%get3A_417, %get3A_418] : memref<32x8192xf32, #tpu.memory_space<vmem>>, vector<32x128xf32>
    %transpose3A_420 = tpu.transpose %get3A_419, [1, 0] : vector<32x128xf32> -> vector<128x32xf32>
    %swap3A_421 = arith.constant 1920 : index
    %swap3A_422 = arith.constant 0 : index
    %swap3A_423 = vector.load %arg2[%swap3A_421, %swap3A_422] : memref<2048x128xf32, #tpu.memory_space<vmem>>, vector<128x32xf32>
    tpu.vector_store %arg2[%swap3A_421, %swap3A_422], %transpose3A_420 {strides = array<i32>} : memref<2048x128xf32, #tpu.memory_space<vmem>>, vector<128x32xf32>,
    %get3A_424 = arith.constant 0 : index
    %get3A_425 = arith.constant 7808 : index
    %get3A_426 = vector.load %arg1[%get3A_424, %get3A_425] : memref<32x8192xf32, #tpu.memory_space<vmem>>, vector<32x128xf32>
    %transpose3A_427 = tpu.transpose %get3A_426, [1, 0] : vector<32x128xf32> -> vector<128x32xf32>
    %swap3A_428 = arith.constant 1920 : index
    %swap3A_429 = arith.constant 32 : index
    %swap3A_430 = vector.load %arg2[%swap3A_428, %swap3A_429] : memref<2048x128xf32, #tpu.memory_space<vmem>>, vector<128x32xf32>
    tpu.vector_store %arg2[%swap3A_428, %swap3A_429], %transpose3A_427 {strides = array<i32>} : memref<2048x128xf32, #tpu.memory_space<vmem>>, vector<128x32xf32>,
    %get3A_431 = arith.constant 0 : index
    %get3A_432 = arith.constant 7936 : index
    %get3A_433 = vector.load %arg1[%get3A_431, %get3A_432] : memref<32x8192xf32, #tpu.memory_space<vmem>>, vector<32x128xf32>
    %transpose3A_434 = tpu.transpose %get3A_433, [1, 0] : vector<32x128xf32> -> vector<128x32xf32>
    %swap3A_435 = arith.constant 1920 : index
    %swap3A_436 = arith.constant 64 : index
    %swap3A_437 = vector.load %arg2[%swap3A_435, %swap3A_436] : memref<2048x128xf32, #tpu.memory_space<vmem>>, vector<128x32xf32>
    tpu.vector_store %arg2[%swap3A_435, %swap3A_436], %transpose3A_434 {strides = array<i32>} : memref<2048x128xf32, #tpu.memory_space<vmem>>, vector<128x32xf32>,
    %get3A_438 = arith.constant 0 : index
    %get3A_439 = arith.constant 8064 : index
    %get3A_440 = vector.load %arg1[%get3A_438, %get3A_439] : memref<32x8192xf32, #tpu.memory_space<vmem>>, vector<32x128xf32>
    %transpose3A_441 = tpu.transpose %get3A_440, [1, 0] : vector<32x128xf32> -> vector<128x32xf32>
    %swap3A_442 = arith.constant 1920 : index
    %swap3A_443 = arith.constant 96 : index
    %swap3A_444 = vector.load %arg2[%swap3A_442, %swap3A_443] : memref<2048x128xf32, #tpu.memory_space<vmem>>, vector<128x32xf32>
    tpu.vector_store %arg2[%swap3A_442, %swap3A_443], %transpose3A_441 {strides = array<i32>} : memref<2048x128xf32, #tpu.memory_space<vmem>>, vector<128x32xf32>,
    return
  }
  func.func @transform_0(%arg0: i32) -> (i32, i32) {
    %c0_i32 = arith.constant 0 : i32
    %c0_i32_0 = arith.constant 0 : i32
    return %c0_i32, %arg0 : i32, i32
  }
  func.func @transform_1(%arg0: i32) -> (i32, i32) {
    %c0_i32 = arith.constant 0 : i32
    %c0_i32_0 = arith.constant 0 : i32
    return %arg0, %c0_i32 : i32, i32
  }
}

module attributes {stable_mosaic.version = 14 : i64} {
  func.func @_addt_body(%arg0: i32, %arg1: memref<1x6400x128xf32, #tpu.memory_space<vmem>>, %arg2: memref<56x128xf32, #tpu.memory_space<vmem>>, %arg3: memref<6400x128xf32, #tpu.memory_space<vmem>>) attributes {dimension_semantics = [#tpu.dimension_semantics<arbitrary>], iteration_bounds = array<i64: 32>, scalar_prefetch = 0 : i64, scratch_operands = 0 : i64, tpu.core_type = #tpu.core_type<tc>, window_params = [{transform_indices = @transform_0, window_bounds = array<i64: 1, 6400, 128>}, {pipeline_mode = #tpu.pipeline_mode<synchronous>, transform_indices = @transform_1, window_bounds = array<i64: 56, 128>}, {transform_indices = @transform_2, window_bounds = array<i64: 6400, 128>}]} {
    %get3A = arith.constant 0 : index
    %get3A_0 = arith.constant 0 : index
    %get3A_1 = arith.constant 0 : index
    %get3A_2 = vector.load %arg1[%get3A, %get3A_0, %get3A_1] : memref<1x6400x128xf32, #tpu.memory_space<vmem>>, vector<1x128x128xf32>
    %get3A_3 = vector.shape_cast %get3A_2 : vector<1x128x128xf32> to vector<128x128xf32>
    %get3A_4 = arith.constant 0 : index
    %get3A_5 = arith.constant 0 : index
    %get3A_6 = vector.load %arg2[%get3A_4, %get3A_5] : memref<56x128xf32, #tpu.memory_space<vmem>>, vector<1x128xf32>
    %add3A = vector.broadcast %get3A_6 : vector<1x128xf32> to vector<128x128xf32>
    %add3A_7 = arith.addf %get3A_3, %add3A : vector<128x128xf32>
    %transpose3A = tpu.transpose %add3A_7, [1, 0] : vector<128x128xf32> -> vector<128x128xf32>
    %swap3A = arith.constant 0 : index
    %swap3A_8 = arith.constant 0 : index
    %swap3A_9 = vector.load %arg3[%swap3A, %swap3A_8] : memref<6400x128xf32, #tpu.memory_space<vmem>>, vector<128x128xf32>
    tpu.vector_store %arg3[%swap3A, %swap3A_8], %transpose3A {strides = array<i32>} : memref<6400x128xf32, #tpu.memory_space<vmem>>, vector<128x128xf32>,
    %get3A_10 = arith.constant 0 : index
    %get3A_11 = arith.constant 128 : index
    %get3A_12 = arith.constant 0 : index
    %get3A_13 = vector.load %arg1[%get3A_10, %get3A_11, %get3A_12] : memref<1x6400x128xf32, #tpu.memory_space<vmem>>, vector<1x128x128xf32>
    %get3A_14 = vector.shape_cast %get3A_13 : vector<1x128x128xf32> to vector<128x128xf32>
    %get3A_15 = arith.constant 1 : index
    %get3A_16 = arith.constant 0 : index
    %get3A_17 = vector.load %arg2[%get3A_15, %get3A_16] : memref<56x128xf32, #tpu.memory_space<vmem>>, vector<1x128xf32>
    %add3A_18 = vector.broadcast %get3A_17 : vector<1x128xf32> to vector<128x128xf32>
    %add3A_19 = arith.addf %get3A_14, %add3A_18 : vector<128x128xf32>
    %transpose3A_20 = tpu.transpose %add3A_19, [1, 0] : vector<128x128xf32> -> vector<128x128xf32>
    %swap3A_21 = arith.constant 128 : index
    %swap3A_22 = arith.constant 0 : index
    %swap3A_23 = vector.load %arg3[%swap3A_21, %swap3A_22] : memref<6400x128xf32, #tpu.memory_space<vmem>>, vector<128x128xf32>
    tpu.vector_store %arg3[%swap3A_21, %swap3A_22], %transpose3A_20 {strides = array<i32>} : memref<6400x128xf32, #tpu.memory_space<vmem>>, vector<128x128xf32>,
    %get3A_24 = arith.constant 0 : index
    %get3A_25 = arith.constant 256 : index
    %get3A_26 = arith.constant 0 : index
    %get3A_27 = vector.load %arg1[%get3A_24, %get3A_25, %get3A_26] : memref<1x6400x128xf32, #tpu.memory_space<vmem>>, vector<1x128x128xf32>
    %get3A_28 = vector.shape_cast %get3A_27 : vector<1x128x128xf32> to vector<128x128xf32>
    %get3A_29 = arith.constant 2 : index
    %get3A_30 = arith.constant 0 : index
    %get3A_31 = vector.load %arg2[%get3A_29, %get3A_30] : memref<56x128xf32, #tpu.memory_space<vmem>>, vector<1x128xf32>
    %add3A_32 = vector.broadcast %get3A_31 : vector<1x128xf32> to vector<128x128xf32>
    %add3A_33 = arith.addf %get3A_28, %add3A_32 : vector<128x128xf32>
    %transpose3A_34 = tpu.transpose %add3A_33, [1, 0] : vector<128x128xf32> -> vector<128x128xf32>
    %swap3A_35 = arith.constant 256 : index
    %swap3A_36 = arith.constant 0 : index
    %swap3A_37 = vector.load %arg3[%swap3A_35, %swap3A_36] : memref<6400x128xf32, #tpu.memory_space<vmem>>, vector<128x128xf32>
    tpu.vector_store %arg3[%swap3A_35, %swap3A_36], %transpose3A_34 {strides = array<i32>} : memref<6400x128xf32, #tpu.memory_space<vmem>>, vector<128x128xf32>,
    %get3A_38 = arith.constant 0 : index
    %get3A_39 = arith.constant 384 : index
    %get3A_40 = arith.constant 0 : index
    %get3A_41 = vector.load %arg1[%get3A_38, %get3A_39, %get3A_40] : memref<1x6400x128xf32, #tpu.memory_space<vmem>>, vector<1x128x128xf32>
    %get3A_42 = vector.shape_cast %get3A_41 : vector<1x128x128xf32> to vector<128x128xf32>
    %get3A_43 = arith.constant 3 : index
    %get3A_44 = arith.constant 0 : index
    %get3A_45 = vector.load %arg2[%get3A_43, %get3A_44] : memref<56x128xf32, #tpu.memory_space<vmem>>, vector<1x128xf32>
    %add3A_46 = vector.broadcast %get3A_45 : vector<1x128xf32> to vector<128x128xf32>
    %add3A_47 = arith.addf %get3A_42, %add3A_46 : vector<128x128xf32>
    %transpose3A_48 = tpu.transpose %add3A_47, [1, 0] : vector<128x128xf32> -> vector<128x128xf32>
    %swap3A_49 = arith.constant 384 : index
    %swap3A_50 = arith.constant 0 : index
    %swap3A_51 = vector.load %arg3[%swap3A_49, %swap3A_50] : memref<6400x128xf32, #tpu.memory_space<vmem>>, vector<128x128xf32>
    tpu.vector_store %arg3[%swap3A_49, %swap3A_50], %transpose3A_48 {strides = array<i32>} : memref<6400x128xf32, #tpu.memory_space<vmem>>, vector<128x128xf32>,
    %get3A_52 = arith.constant 0 : index
    %get3A_53 = arith.constant 512 : index
    %get3A_54 = arith.constant 0 : index
    %get3A_55 = vector.load %arg1[%get3A_52, %get3A_53, %get3A_54] : memref<1x6400x128xf32, #tpu.memory_space<vmem>>, vector<1x128x128xf32>
    %get3A_56 = vector.shape_cast %get3A_55 : vector<1x128x128xf32> to vector<128x128xf32>
    %get3A_57 = arith.constant 4 : index
    %get3A_58 = arith.constant 0 : index
    %get3A_59 = vector.load %arg2[%get3A_57, %get3A_58] : memref<56x128xf32, #tpu.memory_space<vmem>>, vector<1x128xf32>
    %add3A_60 = vector.broadcast %get3A_59 : vector<1x128xf32> to vector<128x128xf32>
    %add3A_61 = arith.addf %get3A_56, %add3A_60 : vector<128x128xf32>
    %transpose3A_62 = tpu.transpose %add3A_61, [1, 0] : vector<128x128xf32> -> vector<128x128xf32>
    %swap3A_63 = arith.constant 512 : index
    %swap3A_64 = arith.constant 0 : index
    %swap3A_65 = vector.load %arg3[%swap3A_63, %swap3A_64] : memref<6400x128xf32, #tpu.memory_space<vmem>>, vector<128x128xf32>
    tpu.vector_store %arg3[%swap3A_63, %swap3A_64], %transpose3A_62 {strides = array<i32>} : memref<6400x128xf32, #tpu.memory_space<vmem>>, vector<128x128xf32>,
    %get3A_66 = arith.constant 0 : index
    %get3A_67 = arith.constant 640 : index
    %get3A_68 = arith.constant 0 : index
    %get3A_69 = vector.load %arg1[%get3A_66, %get3A_67, %get3A_68] : memref<1x6400x128xf32, #tpu.memory_space<vmem>>, vector<1x128x128xf32>
    %get3A_70 = vector.shape_cast %get3A_69 : vector<1x128x128xf32> to vector<128x128xf32>
    %get3A_71 = arith.constant 5 : index
    %get3A_72 = arith.constant 0 : index
    %get3A_73 = vector.load %arg2[%get3A_71, %get3A_72] : memref<56x128xf32, #tpu.memory_space<vmem>>, vector<1x128xf32>
    %add3A_74 = vector.broadcast %get3A_73 : vector<1x128xf32> to vector<128x128xf32>
    %add3A_75 = arith.addf %get3A_70, %add3A_74 : vector<128x128xf32>
    %transpose3A_76 = tpu.transpose %add3A_75, [1, 0] : vector<128x128xf32> -> vector<128x128xf32>
    %swap3A_77 = arith.constant 640 : index
    %swap3A_78 = arith.constant 0 : index
    %swap3A_79 = vector.load %arg3[%swap3A_77, %swap3A_78] : memref<6400x128xf32, #tpu.memory_space<vmem>>, vector<128x128xf32>
    tpu.vector_store %arg3[%swap3A_77, %swap3A_78], %transpose3A_76 {strides = array<i32>} : memref<6400x128xf32, #tpu.memory_space<vmem>>, vector<128x128xf32>,
    %get3A_80 = arith.constant 0 : index
    %get3A_81 = arith.constant 768 : index
    %get3A_82 = arith.constant 0 : index
    %get3A_83 = vector.load %arg1[%get3A_80, %get3A_81, %get3A_82] : memref<1x6400x128xf32, #tpu.memory_space<vmem>>, vector<1x128x128xf32>
    %get3A_84 = vector.shape_cast %get3A_83 : vector<1x128x128xf32> to vector<128x128xf32>
    %get3A_85 = arith.constant 6 : index
    %get3A_86 = arith.constant 0 : index
    %get3A_87 = vector.load %arg2[%get3A_85, %get3A_86] : memref<56x128xf32, #tpu.memory_space<vmem>>, vector<1x128xf32>
    %add3A_88 = vector.broadcast %get3A_87 : vector<1x128xf32> to vector<128x128xf32>
    %add3A_89 = arith.addf %get3A_84, %add3A_88 : vector<128x128xf32>
    %transpose3A_90 = tpu.transpose %add3A_89, [1, 0] : vector<128x128xf32> -> vector<128x128xf32>
    %swap3A_91 = arith.constant 768 : index
    %swap3A_92 = arith.constant 0 : index
    %swap3A_93 = vector.load %arg3[%swap3A_91, %swap3A_92] : memref<6400x128xf32, #tpu.memory_space<vmem>>, vector<128x128xf32>
    tpu.vector_store %arg3[%swap3A_91, %swap3A_92], %transpose3A_90 {strides = array<i32>} : memref<6400x128xf32, #tpu.memory_space<vmem>>, vector<128x128xf32>,
    %get3A_94 = arith.constant 0 : index
    %get3A_95 = arith.constant 896 : index
    %get3A_96 = arith.constant 0 : index
    %get3A_97 = vector.load %arg1[%get3A_94, %get3A_95, %get3A_96] : memref<1x6400x128xf32, #tpu.memory_space<vmem>>, vector<1x128x128xf32>
    %get3A_98 = vector.shape_cast %get3A_97 : vector<1x128x128xf32> to vector<128x128xf32>
    %get3A_99 = arith.constant 7 : index
    %get3A_100 = arith.constant 0 : index
    %get3A_101 = vector.load %arg2[%get3A_99, %get3A_100] : memref<56x128xf32, #tpu.memory_space<vmem>>, vector<1x128xf32>
    %add3A_102 = vector.broadcast %get3A_101 : vector<1x128xf32> to vector<128x128xf32>
    %add3A_103 = arith.addf %get3A_98, %add3A_102 : vector<128x128xf32>
    %transpose3A_104 = tpu.transpose %add3A_103, [1, 0] : vector<128x128xf32> -> vector<128x128xf32>
    %swap3A_105 = arith.constant 896 : index
    %swap3A_106 = arith.constant 0 : index
    %swap3A_107 = vector.load %arg3[%swap3A_105, %swap3A_106] : memref<6400x128xf32, #tpu.memory_space<vmem>>, vector<128x128xf32>
    tpu.vector_store %arg3[%swap3A_105, %swap3A_106], %transpose3A_104 {strides = array<i32>} : memref<6400x128xf32, #tpu.memory_space<vmem>>, vector<128x128xf32>,
    %get3A_108 = arith.constant 0 : index
    %get3A_109 = arith.constant 1024 : index
    %get3A_110 = arith.constant 0 : index
    %get3A_111 = vector.load %arg1[%get3A_108, %get3A_109, %get3A_110] : memref<1x6400x128xf32, #tpu.memory_space<vmem>>, vector<1x128x128xf32>
    %get3A_112 = vector.shape_cast %get3A_111 : vector<1x128x128xf32> to vector<128x128xf32>
    %get3A_113 = arith.constant 8 : index
    %get3A_114 = arith.constant 0 : index
    %get3A_115 = vector.load %arg2[%get3A_113, %get3A_114] : memref<56x128xf32, #tpu.memory_space<vmem>>, vector<1x128xf32>
    %add3A_116 = vector.broadcast %get3A_115 : vector<1x128xf32> to vector<128x128xf32>
    %add3A_117 = arith.addf %get3A_112, %add3A_116 : vector<128x128xf32>
    %transpose3A_118 = tpu.transpose %add3A_117, [1, 0] : vector<128x128xf32> -> vector<128x128xf32>
    %swap3A_119 = arith.constant 1024 : index
    %swap3A_120 = arith.constant 0 : index
    %swap3A_121 = vector.load %arg3[%swap3A_119, %swap3A_120] : memref<6400x128xf32, #tpu.memory_space<vmem>>, vector<128x128xf32>
    tpu.vector_store %arg3[%swap3A_119, %swap3A_120], %transpose3A_118 {strides = array<i32>} : memref<6400x128xf32, #tpu.memory_space<vmem>>, vector<128x128xf32>,
    %get3A_122 = arith.constant 0 : index
    %get3A_123 = arith.constant 1152 : index
    %get3A_124 = arith.constant 0 : index
    %get3A_125 = vector.load %arg1[%get3A_122, %get3A_123, %get3A_124] : memref<1x6400x128xf32, #tpu.memory_space<vmem>>, vector<1x128x128xf32>
    %get3A_126 = vector.shape_cast %get3A_125 : vector<1x128x128xf32> to vector<128x128xf32>
    %get3A_127 = arith.constant 9 : index
    %get3A_128 = arith.constant 0 : index
    %get3A_129 = vector.load %arg2[%get3A_127, %get3A_128] : memref<56x128xf32, #tpu.memory_space<vmem>>, vector<1x128xf32>
    %add3A_130 = vector.broadcast %get3A_129 : vector<1x128xf32> to vector<128x128xf32>
    %add3A_131 = arith.addf %get3A_126, %add3A_130 : vector<128x128xf32>
    %transpose3A_132 = tpu.transpose %add3A_131, [1, 0] : vector<128x128xf32> -> vector<128x128xf32>
    %swap3A_133 = arith.constant 1152 : index
    %swap3A_134 = arith.constant 0 : index
    %swap3A_135 = vector.load %arg3[%swap3A_133, %swap3A_134] : memref<6400x128xf32, #tpu.memory_space<vmem>>, vector<128x128xf32>
    tpu.vector_store %arg3[%swap3A_133, %swap3A_134], %transpose3A_132 {strides = array<i32>} : memref<6400x128xf32, #tpu.memory_space<vmem>>, vector<128x128xf32>,
    %get3A_136 = arith.constant 0 : index
    %get3A_137 = arith.constant 1280 : index
    %get3A_138 = arith.constant 0 : index
    %get3A_139 = vector.load %arg1[%get3A_136, %get3A_137, %get3A_138] : memref<1x6400x128xf32, #tpu.memory_space<vmem>>, vector<1x128x128xf32>
    %get3A_140 = vector.shape_cast %get3A_139 : vector<1x128x128xf32> to vector<128x128xf32>
    %get3A_141 = arith.constant 10 : index
    %get3A_142 = arith.constant 0 : index
    %get3A_143 = vector.load %arg2[%get3A_141, %get3A_142] : memref<56x128xf32, #tpu.memory_space<vmem>>, vector<1x128xf32>
    %add3A_144 = vector.broadcast %get3A_143 : vector<1x128xf32> to vector<128x128xf32>
    %add3A_145 = arith.addf %get3A_140, %add3A_144 : vector<128x128xf32>
    %transpose3A_146 = tpu.transpose %add3A_145, [1, 0] : vector<128x128xf32> -> vector<128x128xf32>
    %swap3A_147 = arith.constant 1280 : index
    %swap3A_148 = arith.constant 0 : index
    %swap3A_149 = vector.load %arg3[%swap3A_147, %swap3A_148] : memref<6400x128xf32, #tpu.memory_space<vmem>>, vector<128x128xf32>
    tpu.vector_store %arg3[%swap3A_147, %swap3A_148], %transpose3A_146 {strides = array<i32>} : memref<6400x128xf32, #tpu.memory_space<vmem>>, vector<128x128xf32>,
    %get3A_150 = arith.constant 0 : index
    %get3A_151 = arith.constant 1408 : index
    %get3A_152 = arith.constant 0 : index
    %get3A_153 = vector.load %arg1[%get3A_150, %get3A_151, %get3A_152] : memref<1x6400x128xf32, #tpu.memory_space<vmem>>, vector<1x128x128xf32>
    %get3A_154 = vector.shape_cast %get3A_153 : vector<1x128x128xf32> to vector<128x128xf32>
    %get3A_155 = arith.constant 11 : index
    %get3A_156 = arith.constant 0 : index
    %get3A_157 = vector.load %arg2[%get3A_155, %get3A_156] : memref<56x128xf32, #tpu.memory_space<vmem>>, vector<1x128xf32>
    %add3A_158 = vector.broadcast %get3A_157 : vector<1x128xf32> to vector<128x128xf32>
    %add3A_159 = arith.addf %get3A_154, %add3A_158 : vector<128x128xf32>
    %transpose3A_160 = tpu.transpose %add3A_159, [1, 0] : vector<128x128xf32> -> vector<128x128xf32>
    %swap3A_161 = arith.constant 1408 : index
    %swap3A_162 = arith.constant 0 : index
    %swap3A_163 = vector.load %arg3[%swap3A_161, %swap3A_162] : memref<6400x128xf32, #tpu.memory_space<vmem>>, vector<128x128xf32>
    tpu.vector_store %arg3[%swap3A_161, %swap3A_162], %transpose3A_160 {strides = array<i32>} : memref<6400x128xf32, #tpu.memory_space<vmem>>, vector<128x128xf32>,
    %get3A_164 = arith.constant 0 : index
    %get3A_165 = arith.constant 1536 : index
    %get3A_166 = arith.constant 0 : index
    %get3A_167 = vector.load %arg1[%get3A_164, %get3A_165, %get3A_166] : memref<1x6400x128xf32, #tpu.memory_space<vmem>>, vector<1x128x128xf32>
    %get3A_168 = vector.shape_cast %get3A_167 : vector<1x128x128xf32> to vector<128x128xf32>
    %get3A_169 = arith.constant 12 : index
    %get3A_170 = arith.constant 0 : index
    %get3A_171 = vector.load %arg2[%get3A_169, %get3A_170] : memref<56x128xf32, #tpu.memory_space<vmem>>, vector<1x128xf32>
    %add3A_172 = vector.broadcast %get3A_171 : vector<1x128xf32> to vector<128x128xf32>
    %add3A_173 = arith.addf %get3A_168, %add3A_172 : vector<128x128xf32>
    %transpose3A_174 = tpu.transpose %add3A_173, [1, 0] : vector<128x128xf32> -> vector<128x128xf32>
    %swap3A_175 = arith.constant 1536 : index
    %swap3A_176 = arith.constant 0 : index
    %swap3A_177 = vector.load %arg3[%swap3A_175, %swap3A_176] : memref<6400x128xf32, #tpu.memory_space<vmem>>, vector<128x128xf32>
    tpu.vector_store %arg3[%swap3A_175, %swap3A_176], %transpose3A_174 {strides = array<i32>} : memref<6400x128xf32, #tpu.memory_space<vmem>>, vector<128x128xf32>,
    %get3A_178 = arith.constant 0 : index
    %get3A_179 = arith.constant 1664 : index
    %get3A_180 = arith.constant 0 : index
    %get3A_181 = vector.load %arg1[%get3A_178, %get3A_179, %get3A_180] : memref<1x6400x128xf32, #tpu.memory_space<vmem>>, vector<1x128x128xf32>
    %get3A_182 = vector.shape_cast %get3A_181 : vector<1x128x128xf32> to vector<128x128xf32>
    %get3A_183 = arith.constant 13 : index
    %get3A_184 = arith.constant 0 : index
    %get3A_185 = vector.load %arg2[%get3A_183, %get3A_184] : memref<56x128xf32, #tpu.memory_space<vmem>>, vector<1x128xf32>
    %add3A_186 = vector.broadcast %get3A_185 : vector<1x128xf32> to vector<128x128xf32>
    %add3A_187 = arith.addf %get3A_182, %add3A_186 : vector<128x128xf32>
    %transpose3A_188 = tpu.transpose %add3A_187, [1, 0] : vector<128x128xf32> -> vector<128x128xf32>
    %swap3A_189 = arith.constant 1664 : index
    %swap3A_190 = arith.constant 0 : index
    %swap3A_191 = vector.load %arg3[%swap3A_189, %swap3A_190] : memref<6400x128xf32, #tpu.memory_space<vmem>>, vector<128x128xf32>
    tpu.vector_store %arg3[%swap3A_189, %swap3A_190], %transpose3A_188 {strides = array<i32>} : memref<6400x128xf32, #tpu.memory_space<vmem>>, vector<128x128xf32>,
    %get3A_192 = arith.constant 0 : index
    %get3A_193 = arith.constant 1792 : index
    %get3A_194 = arith.constant 0 : index
    %get3A_195 = vector.load %arg1[%get3A_192, %get3A_193, %get3A_194] : memref<1x6400x128xf32, #tpu.memory_space<vmem>>, vector<1x128x128xf32>
    %get3A_196 = vector.shape_cast %get3A_195 : vector<1x128x128xf32> to vector<128x128xf32>
    %get3A_197 = arith.constant 14 : index
    %get3A_198 = arith.constant 0 : index
    %get3A_199 = vector.load %arg2[%get3A_197, %get3A_198] : memref<56x128xf32, #tpu.memory_space<vmem>>, vector<1x128xf32>
    %add3A_200 = vector.broadcast %get3A_199 : vector<1x128xf32> to vector<128x128xf32>
    %add3A_201 = arith.addf %get3A_196, %add3A_200 : vector<128x128xf32>
    %transpose3A_202 = tpu.transpose %add3A_201, [1, 0] : vector<128x128xf32> -> vector<128x128xf32>
    %swap3A_203 = arith.constant 1792 : index
    %swap3A_204 = arith.constant 0 : index
    %swap3A_205 = vector.load %arg3[%swap3A_203, %swap3A_204] : memref<6400x128xf32, #tpu.memory_space<vmem>>, vector<128x128xf32>
    tpu.vector_store %arg3[%swap3A_203, %swap3A_204], %transpose3A_202 {strides = array<i32>} : memref<6400x128xf32, #tpu.memory_space<vmem>>, vector<128x128xf32>,
    %get3A_206 = arith.constant 0 : index
    %get3A_207 = arith.constant 1920 : index
    %get3A_208 = arith.constant 0 : index
    %get3A_209 = vector.load %arg1[%get3A_206, %get3A_207, %get3A_208] : memref<1x6400x128xf32, #tpu.memory_space<vmem>>, vector<1x128x128xf32>
    %get3A_210 = vector.shape_cast %get3A_209 : vector<1x128x128xf32> to vector<128x128xf32>
    %get3A_211 = arith.constant 15 : index
    %get3A_212 = arith.constant 0 : index
    %get3A_213 = vector.load %arg2[%get3A_211, %get3A_212] : memref<56x128xf32, #tpu.memory_space<vmem>>, vector<1x128xf32>
    %add3A_214 = vector.broadcast %get3A_213 : vector<1x128xf32> to vector<128x128xf32>
    %add3A_215 = arith.addf %get3A_210, %add3A_214 : vector<128x128xf32>
    %transpose3A_216 = tpu.transpose %add3A_215, [1, 0] : vector<128x128xf32> -> vector<128x128xf32>
    %swap3A_217 = arith.constant 1920 : index
    %swap3A_218 = arith.constant 0 : index
    %swap3A_219 = vector.load %arg3[%swap3A_217, %swap3A_218] : memref<6400x128xf32, #tpu.memory_space<vmem>>, vector<128x128xf32>
    tpu.vector_store %arg3[%swap3A_217, %swap3A_218], %transpose3A_216 {strides = array<i32>} : memref<6400x128xf32, #tpu.memory_space<vmem>>, vector<128x128xf32>,
    %get3A_220 = arith.constant 0 : index
    %get3A_221 = arith.constant 2048 : index
    %get3A_222 = arith.constant 0 : index
    %get3A_223 = vector.load %arg1[%get3A_220, %get3A_221, %get3A_222] : memref<1x6400x128xf32, #tpu.memory_space<vmem>>, vector<1x128x128xf32>
    %get3A_224 = vector.shape_cast %get3A_223 : vector<1x128x128xf32> to vector<128x128xf32>
    %get3A_225 = arith.constant 16 : index
    %get3A_226 = arith.constant 0 : index
    %get3A_227 = vector.load %arg2[%get3A_225, %get3A_226] : memref<56x128xf32, #tpu.memory_space<vmem>>, vector<1x128xf32>
    %add3A_228 = vector.broadcast %get3A_227 : vector<1x128xf32> to vector<128x128xf32>
    %add3A_229 = arith.addf %get3A_224, %add3A_228 : vector<128x128xf32>
    %transpose3A_230 = tpu.transpose %add3A_229, [1, 0] : vector<128x128xf32> -> vector<128x128xf32>
    %swap3A_231 = arith.constant 2048 : index
    %swap3A_232 = arith.constant 0 : index
    %swap3A_233 = vector.load %arg3[%swap3A_231, %swap3A_232] : memref<6400x128xf32, #tpu.memory_space<vmem>>, vector<128x128xf32>
    tpu.vector_store %arg3[%swap3A_231, %swap3A_232], %transpose3A_230 {strides = array<i32>} : memref<6400x128xf32, #tpu.memory_space<vmem>>, vector<128x128xf32>,
    %get3A_234 = arith.constant 0 : index
    %get3A_235 = arith.constant 2176 : index
    %get3A_236 = arith.constant 0 : index
    %get3A_237 = vector.load %arg1[%get3A_234, %get3A_235, %get3A_236] : memref<1x6400x128xf32, #tpu.memory_space<vmem>>, vector<1x128x128xf32>
    %get3A_238 = vector.shape_cast %get3A_237 : vector<1x128x128xf32> to vector<128x128xf32>
    %get3A_239 = arith.constant 17 : index
    %get3A_240 = arith.constant 0 : index
    %get3A_241 = vector.load %arg2[%get3A_239, %get3A_240] : memref<56x128xf32, #tpu.memory_space<vmem>>, vector<1x128xf32>
    %add3A_242 = vector.broadcast %get3A_241 : vector<1x128xf32> to vector<128x128xf32>
    %add3A_243 = arith.addf %get3A_238, %add3A_242 : vector<128x128xf32>
    %transpose3A_244 = tpu.transpose %add3A_243, [1, 0] : vector<128x128xf32> -> vector<128x128xf32>
    %swap3A_245 = arith.constant 2176 : index
    %swap3A_246 = arith.constant 0 : index
    %swap3A_247 = vector.load %arg3[%swap3A_245, %swap3A_246] : memref<6400x128xf32, #tpu.memory_space<vmem>>, vector<128x128xf32>
    tpu.vector_store %arg3[%swap3A_245, %swap3A_246], %transpose3A_244 {strides = array<i32>} : memref<6400x128xf32, #tpu.memory_space<vmem>>, vector<128x128xf32>,
    %get3A_248 = arith.constant 0 : index
    %get3A_249 = arith.constant 2304 : index
    %get3A_250 = arith.constant 0 : index
    %get3A_251 = vector.load %arg1[%get3A_248, %get3A_249, %get3A_250] : memref<1x6400x128xf32, #tpu.memory_space<vmem>>, vector<1x128x128xf32>
    %get3A_252 = vector.shape_cast %get3A_251 : vector<1x128x128xf32> to vector<128x128xf32>
    %get3A_253 = arith.constant 18 : index
    %get3A_254 = arith.constant 0 : index
    %get3A_255 = vector.load %arg2[%get3A_253, %get3A_254] : memref<56x128xf32, #tpu.memory_space<vmem>>, vector<1x128xf32>
    %add3A_256 = vector.broadcast %get3A_255 : vector<1x128xf32> to vector<128x128xf32>
    %add3A_257 = arith.addf %get3A_252, %add3A_256 : vector<128x128xf32>
    %transpose3A_258 = tpu.transpose %add3A_257, [1, 0] : vector<128x128xf32> -> vector<128x128xf32>
    %swap3A_259 = arith.constant 2304 : index
    %swap3A_260 = arith.constant 0 : index
    %swap3A_261 = vector.load %arg3[%swap3A_259, %swap3A_260] : memref<6400x128xf32, #tpu.memory_space<vmem>>, vector<128x128xf32>
    tpu.vector_store %arg3[%swap3A_259, %swap3A_260], %transpose3A_258 {strides = array<i32>} : memref<6400x128xf32, #tpu.memory_space<vmem>>, vector<128x128xf32>,
    %get3A_262 = arith.constant 0 : index
    %get3A_263 = arith.constant 2432 : index
    %get3A_264 = arith.constant 0 : index
    %get3A_265 = vector.load %arg1[%get3A_262, %get3A_263, %get3A_264] : memref<1x6400x128xf32, #tpu.memory_space<vmem>>, vector<1x128x128xf32>
    %get3A_266 = vector.shape_cast %get3A_265 : vector<1x128x128xf32> to vector<128x128xf32>
    %get3A_267 = arith.constant 19 : index
    %get3A_268 = arith.constant 0 : index
    %get3A_269 = vector.load %arg2[%get3A_267, %get3A_268] : memref<56x128xf32, #tpu.memory_space<vmem>>, vector<1x128xf32>
    %add3A_270 = vector.broadcast %get3A_269 : vector<1x128xf32> to vector<128x128xf32>
    %add3A_271 = arith.addf %get3A_266, %add3A_270 : vector<128x128xf32>
    %transpose3A_272 = tpu.transpose %add3A_271, [1, 0] : vector<128x128xf32> -> vector<128x128xf32>
    %swap3A_273 = arith.constant 2432 : index
    %swap3A_274 = arith.constant 0 : index
    %swap3A_275 = vector.load %arg3[%swap3A_273, %swap3A_274] : memref<6400x128xf32, #tpu.memory_space<vmem>>, vector<128x128xf32>
    tpu.vector_store %arg3[%swap3A_273, %swap3A_274], %transpose3A_272 {strides = array<i32>} : memref<6400x128xf32, #tpu.memory_space<vmem>>, vector<128x128xf32>,
    %get3A_276 = arith.constant 0 : index
    %get3A_277 = arith.constant 2560 : index
    %get3A_278 = arith.constant 0 : index
    %get3A_279 = vector.load %arg1[%get3A_276, %get3A_277, %get3A_278] : memref<1x6400x128xf32, #tpu.memory_space<vmem>>, vector<1x128x128xf32>
    %get3A_280 = vector.shape_cast %get3A_279 : vector<1x128x128xf32> to vector<128x128xf32>
    %get3A_281 = arith.constant 20 : index
    %get3A_282 = arith.constant 0 : index
    %get3A_283 = vector.load %arg2[%get3A_281, %get3A_282] : memref<56x128xf32, #tpu.memory_space<vmem>>, vector<1x128xf32>
    %add3A_284 = vector.broadcast %get3A_283 : vector<1x128xf32> to vector<128x128xf32>
    %add3A_285 = arith.addf %get3A_280, %add3A_284 : vector<128x128xf32>
    %transpose3A_286 = tpu.transpose %add3A_285, [1, 0] : vector<128x128xf32> -> vector<128x128xf32>
    %swap3A_287 = arith.constant 2560 : index
    %swap3A_288 = arith.constant 0 : index
    %swap3A_289 = vector.load %arg3[%swap3A_287, %swap3A_288] : memref<6400x128xf32, #tpu.memory_space<vmem>>, vector<128x128xf32>
    tpu.vector_store %arg3[%swap3A_287, %swap3A_288], %transpose3A_286 {strides = array<i32>} : memref<6400x128xf32, #tpu.memory_space<vmem>>, vector<128x128xf32>,
    %get3A_290 = arith.constant 0 : index
    %get3A_291 = arith.constant 2688 : index
    %get3A_292 = arith.constant 0 : index
    %get3A_293 = vector.load %arg1[%get3A_290, %get3A_291, %get3A_292] : memref<1x6400x128xf32, #tpu.memory_space<vmem>>, vector<1x128x128xf32>
    %get3A_294 = vector.shape_cast %get3A_293 : vector<1x128x128xf32> to vector<128x128xf32>
    %get3A_295 = arith.constant 21 : index
    %get3A_296 = arith.constant 0 : index
    %get3A_297 = vector.load %arg2[%get3A_295, %get3A_296] : memref<56x128xf32, #tpu.memory_space<vmem>>, vector<1x128xf32>
    %add3A_298 = vector.broadcast %get3A_297 : vector<1x128xf32> to vector<128x128xf32>
    %add3A_299 = arith.addf %get3A_294, %add3A_298 : vector<128x128xf32>
    %transpose3A_300 = tpu.transpose %add3A_299, [1, 0] : vector<128x128xf32> -> vector<128x128xf32>
    %swap3A_301 = arith.constant 2688 : index
    %swap3A_302 = arith.constant 0 : index
    %swap3A_303 = vector.load %arg3[%swap3A_301, %swap3A_302] : memref<6400x128xf32, #tpu.memory_space<vmem>>, vector<128x128xf32>
    tpu.vector_store %arg3[%swap3A_301, %swap3A_302], %transpose3A_300 {strides = array<i32>} : memref<6400x128xf32, #tpu.memory_space<vmem>>, vector<128x128xf32>,
    %get3A_304 = arith.constant 0 : index
    %get3A_305 = arith.constant 2816 : index
    %get3A_306 = arith.constant 0 : index
    %get3A_307 = vector.load %arg1[%get3A_304, %get3A_305, %get3A_306] : memref<1x6400x128xf32, #tpu.memory_space<vmem>>, vector<1x128x128xf32>
    %get3A_308 = vector.shape_cast %get3A_307 : vector<1x128x128xf32> to vector<128x128xf32>
    %get3A_309 = arith.constant 22 : index
    %get3A_310 = arith.constant 0 : index
    %get3A_311 = vector.load %arg2[%get3A_309, %get3A_310] : memref<56x128xf32, #tpu.memory_space<vmem>>, vector<1x128xf32>
    %add3A_312 = vector.broadcast %get3A_311 : vector<1x128xf32> to vector<128x128xf32>
    %add3A_313 = arith.addf %get3A_308, %add3A_312 : vector<128x128xf32>
    %transpose3A_314 = tpu.transpose %add3A_313, [1, 0] : vector<128x128xf32> -> vector<128x128xf32>
    %swap3A_315 = arith.constant 2816 : index
    %swap3A_316 = arith.constant 0 : index
    %swap3A_317 = vector.load %arg3[%swap3A_315, %swap3A_316] : memref<6400x128xf32, #tpu.memory_space<vmem>>, vector<128x128xf32>
    tpu.vector_store %arg3[%swap3A_315, %swap3A_316], %transpose3A_314 {strides = array<i32>} : memref<6400x128xf32, #tpu.memory_space<vmem>>, vector<128x128xf32>,
    %get3A_318 = arith.constant 0 : index
    %get3A_319 = arith.constant 2944 : index
    %get3A_320 = arith.constant 0 : index
    %get3A_321 = vector.load %arg1[%get3A_318, %get3A_319, %get3A_320] : memref<1x6400x128xf32, #tpu.memory_space<vmem>>, vector<1x128x128xf32>
    %get3A_322 = vector.shape_cast %get3A_321 : vector<1x128x128xf32> to vector<128x128xf32>
    %get3A_323 = arith.constant 23 : index
    %get3A_324 = arith.constant 0 : index
    %get3A_325 = vector.load %arg2[%get3A_323, %get3A_324] : memref<56x128xf32, #tpu.memory_space<vmem>>, vector<1x128xf32>
    %add3A_326 = vector.broadcast %get3A_325 : vector<1x128xf32> to vector<128x128xf32>
    %add3A_327 = arith.addf %get3A_322, %add3A_326 : vector<128x128xf32>
    %transpose3A_328 = tpu.transpose %add3A_327, [1, 0] : vector<128x128xf32> -> vector<128x128xf32>
    %swap3A_329 = arith.constant 2944 : index
    %swap3A_330 = arith.constant 0 : index
    %swap3A_331 = vector.load %arg3[%swap3A_329, %swap3A_330] : memref<6400x128xf32, #tpu.memory_space<vmem>>, vector<128x128xf32>
    tpu.vector_store %arg3[%swap3A_329, %swap3A_330], %transpose3A_328 {strides = array<i32>} : memref<6400x128xf32, #tpu.memory_space<vmem>>, vector<128x128xf32>,
    %get3A_332 = arith.constant 0 : index
    %get3A_333 = arith.constant 3072 : index
    %get3A_334 = arith.constant 0 : index
    %get3A_335 = vector.load %arg1[%get3A_332, %get3A_333, %get3A_334] : memref<1x6400x128xf32, #tpu.memory_space<vmem>>, vector<1x128x128xf32>
    %get3A_336 = vector.shape_cast %get3A_335 : vector<1x128x128xf32> to vector<128x128xf32>
    %get3A_337 = arith.constant 24 : index
    %get3A_338 = arith.constant 0 : index
    %get3A_339 = vector.load %arg2[%get3A_337, %get3A_338] : memref<56x128xf32, #tpu.memory_space<vmem>>, vector<1x128xf32>
    %add3A_340 = vector.broadcast %get3A_339 : vector<1x128xf32> to vector<128x128xf32>
    %add3A_341 = arith.addf %get3A_336, %add3A_340 : vector<128x128xf32>
    %transpose3A_342 = tpu.transpose %add3A_341, [1, 0] : vector<128x128xf32> -> vector<128x128xf32>
    %swap3A_343 = arith.constant 3072 : index
    %swap3A_344 = arith.constant 0 : index
    %swap3A_345 = vector.load %arg3[%swap3A_343, %swap3A_344] : memref<6400x128xf32, #tpu.memory_space<vmem>>, vector<128x128xf32>
    tpu.vector_store %arg3[%swap3A_343, %swap3A_344], %transpose3A_342 {strides = array<i32>} : memref<6400x128xf32, #tpu.memory_space<vmem>>, vector<128x128xf32>,
    %get3A_346 = arith.constant 0 : index
    %get3A_347 = arith.constant 3200 : index
    %get3A_348 = arith.constant 0 : index
    %get3A_349 = vector.load %arg1[%get3A_346, %get3A_347, %get3A_348] : memref<1x6400x128xf32, #tpu.memory_space<vmem>>, vector<1x128x128xf32>
    %get3A_350 = vector.shape_cast %get3A_349 : vector<1x128x128xf32> to vector<128x128xf32>
    %get3A_351 = arith.constant 25 : index
    %get3A_352 = arith.constant 0 : index
    %get3A_353 = vector.load %arg2[%get3A_351, %get3A_352] : memref<56x128xf32, #tpu.memory_space<vmem>>, vector<1x128xf32>
    %add3A_354 = vector.broadcast %get3A_353 : vector<1x128xf32> to vector<128x128xf32>
    %add3A_355 = arith.addf %get3A_350, %add3A_354 : vector<128x128xf32>
    %transpose3A_356 = tpu.transpose %add3A_355, [1, 0] : vector<128x128xf32> -> vector<128x128xf32>
    %swap3A_357 = arith.constant 3200 : index
    %swap3A_358 = arith.constant 0 : index
    %swap3A_359 = vector.load %arg3[%swap3A_357, %swap3A_358] : memref<6400x128xf32, #tpu.memory_space<vmem>>, vector<128x128xf32>
    tpu.vector_store %arg3[%swap3A_357, %swap3A_358], %transpose3A_356 {strides = array<i32>} : memref<6400x128xf32, #tpu.memory_space<vmem>>, vector<128x128xf32>,
    %get3A_360 = arith.constant 0 : index
    %get3A_361 = arith.constant 3328 : index
    %get3A_362 = arith.constant 0 : index
    %get3A_363 = vector.load %arg1[%get3A_360, %get3A_361, %get3A_362] : memref<1x6400x128xf32, #tpu.memory_space<vmem>>, vector<1x128x128xf32>
    %get3A_364 = vector.shape_cast %get3A_363 : vector<1x128x128xf32> to vector<128x128xf32>
    %get3A_365 = arith.constant 26 : index
    %get3A_366 = arith.constant 0 : index
    %get3A_367 = vector.load %arg2[%get3A_365, %get3A_366] : memref<56x128xf32, #tpu.memory_space<vmem>>, vector<1x128xf32>
    %add3A_368 = vector.broadcast %get3A_367 : vector<1x128xf32> to vector<128x128xf32>
    %add3A_369 = arith.addf %get3A_364, %add3A_368 : vector<128x128xf32>
    %transpose3A_370 = tpu.transpose %add3A_369, [1, 0] : vector<128x128xf32> -> vector<128x128xf32>
    %swap3A_371 = arith.constant 3328 : index
    %swap3A_372 = arith.constant 0 : index
    %swap3A_373 = vector.load %arg3[%swap3A_371, %swap3A_372] : memref<6400x128xf32, #tpu.memory_space<vmem>>, vector<128x128xf32>
    tpu.vector_store %arg3[%swap3A_371, %swap3A_372], %transpose3A_370 {strides = array<i32>} : memref<6400x128xf32, #tpu.memory_space<vmem>>, vector<128x128xf32>,
    %get3A_374 = arith.constant 0 : index
    %get3A_375 = arith.constant 3456 : index
    %get3A_376 = arith.constant 0 : index
    %get3A_377 = vector.load %arg1[%get3A_374, %get3A_375, %get3A_376] : memref<1x6400x128xf32, #tpu.memory_space<vmem>>, vector<1x128x128xf32>
    %get3A_378 = vector.shape_cast %get3A_377 : vector<1x128x128xf32> to vector<128x128xf32>
    %get3A_379 = arith.constant 27 : index
    %get3A_380 = arith.constant 0 : index
    %get3A_381 = vector.load %arg2[%get3A_379, %get3A_380] : memref<56x128xf32, #tpu.memory_space<vmem>>, vector<1x128xf32>
    %add3A_382 = vector.broadcast %get3A_381 : vector<1x128xf32> to vector<128x128xf32>
    %add3A_383 = arith.addf %get3A_378, %add3A_382 : vector<128x128xf32>
    %transpose3A_384 = tpu.transpose %add3A_383, [1, 0] : vector<128x128xf32> -> vector<128x128xf32>
    %swap3A_385 = arith.constant 3456 : index
    %swap3A_386 = arith.constant 0 : index
    %swap3A_387 = vector.load %arg3[%swap3A_385, %swap3A_386] : memref<6400x128xf32, #tpu.memory_space<vmem>>, vector<128x128xf32>
    tpu.vector_store %arg3[%swap3A_385, %swap3A_386], %transpose3A_384 {strides = array<i32>} : memref<6400x128xf32, #tpu.memory_space<vmem>>, vector<128x128xf32>,
    %get3A_388 = arith.constant 0 : index
    %get3A_389 = arith.constant 3584 : index
    %get3A_390 = arith.constant 0 : index
    %get3A_391 = vector.load %arg1[%get3A_388, %get3A_389, %get3A_390] : memref<1x6400x128xf32, #tpu.memory_space<vmem>>, vector<1x128x128xf32>
    %get3A_392 = vector.shape_cast %get3A_391 : vector<1x128x128xf32> to vector<128x128xf32>
    %get3A_393 = arith.constant 28 : index
    %get3A_394 = arith.constant 0 : index
    %get3A_395 = vector.load %arg2[%get3A_393, %get3A_394] : memref<56x128xf32, #tpu.memory_space<vmem>>, vector<1x128xf32>
    %add3A_396 = vector.broadcast %get3A_395 : vector<1x128xf32> to vector<128x128xf32>
    %add3A_397 = arith.addf %get3A_392, %add3A_396 : vector<128x128xf32>
    %transpose3A_398 = tpu.transpose %add3A_397, [1, 0] : vector<128x128xf32> -> vector<128x128xf32>
    %swap3A_399 = arith.constant 3584 : index
    %swap3A_400 = arith.constant 0 : index
    %swap3A_401 = vector.load %arg3[%swap3A_399, %swap3A_400] : memref<6400x128xf32, #tpu.memory_space<vmem>>, vector<128x128xf32>
    tpu.vector_store %arg3[%swap3A_399, %swap3A_400], %transpose3A_398 {strides = array<i32>} : memref<6400x128xf32, #tpu.memory_space<vmem>>, vector<128x128xf32>,
    %get3A_402 = arith.constant 0 : index
    %get3A_403 = arith.constant 3712 : index
    %get3A_404 = arith.constant 0 : index
    %get3A_405 = vector.load %arg1[%get3A_402, %get3A_403, %get3A_404] : memref<1x6400x128xf32, #tpu.memory_space<vmem>>, vector<1x128x128xf32>
    %get3A_406 = vector.shape_cast %get3A_405 : vector<1x128x128xf32> to vector<128x128xf32>
    %get3A_407 = arith.constant 29 : index
    %get3A_408 = arith.constant 0 : index
    %get3A_409 = vector.load %arg2[%get3A_407, %get3A_408] : memref<56x128xf32, #tpu.memory_space<vmem>>, vector<1x128xf32>
    %add3A_410 = vector.broadcast %get3A_409 : vector<1x128xf32> to vector<128x128xf32>
    %add3A_411 = arith.addf %get3A_406, %add3A_410 : vector<128x128xf32>
    %transpose3A_412 = tpu.transpose %add3A_411, [1, 0] : vector<128x128xf32> -> vector<128x128xf32>
    %swap3A_413 = arith.constant 3712 : index
    %swap3A_414 = arith.constant 0 : index
    %swap3A_415 = vector.load %arg3[%swap3A_413, %swap3A_414] : memref<6400x128xf32, #tpu.memory_space<vmem>>, vector<128x128xf32>
    tpu.vector_store %arg3[%swap3A_413, %swap3A_414], %transpose3A_412 {strides = array<i32>} : memref<6400x128xf32, #tpu.memory_space<vmem>>, vector<128x128xf32>,
    %get3A_416 = arith.constant 0 : index
    %get3A_417 = arith.constant 3840 : index
    %get3A_418 = arith.constant 0 : index
    %get3A_419 = vector.load %arg1[%get3A_416, %get3A_417, %get3A_418] : memref<1x6400x128xf32, #tpu.memory_space<vmem>>, vector<1x128x128xf32>
    %get3A_420 = vector.shape_cast %get3A_419 : vector<1x128x128xf32> to vector<128x128xf32>
    %get3A_421 = arith.constant 30 : index
    %get3A_422 = arith.constant 0 : index
    %get3A_423 = vector.load %arg2[%get3A_421, %get3A_422] : memref<56x128xf32, #tpu.memory_space<vmem>>, vector<1x128xf32>
    %add3A_424 = vector.broadcast %get3A_423 : vector<1x128xf32> to vector<128x128xf32>
    %add3A_425 = arith.addf %get3A_420, %add3A_424 : vector<128x128xf32>
    %transpose3A_426 = tpu.transpose %add3A_425, [1, 0] : vector<128x128xf32> -> vector<128x128xf32>
    %swap3A_427 = arith.constant 3840 : index
    %swap3A_428 = arith.constant 0 : index
    %swap3A_429 = vector.load %arg3[%swap3A_427, %swap3A_428] : memref<6400x128xf32, #tpu.memory_space<vmem>>, vector<128x128xf32>
    tpu.vector_store %arg3[%swap3A_427, %swap3A_428], %transpose3A_426 {strides = array<i32>} : memref<6400x128xf32, #tpu.memory_space<vmem>>, vector<128x128xf32>,
    %get3A_430 = arith.constant 0 : index
    %get3A_431 = arith.constant 3968 : index
    %get3A_432 = arith.constant 0 : index
    %get3A_433 = vector.load %arg1[%get3A_430, %get3A_431, %get3A_432] : memref<1x6400x128xf32, #tpu.memory_space<vmem>>, vector<1x128x128xf32>
    %get3A_434 = vector.shape_cast %get3A_433 : vector<1x128x128xf32> to vector<128x128xf32>
    %get3A_435 = arith.constant 31 : index
    %get3A_436 = arith.constant 0 : index
    %get3A_437 = vector.load %arg2[%get3A_435, %get3A_436] : memref<56x128xf32, #tpu.memory_space<vmem>>, vector<1x128xf32>
    %add3A_438 = vector.broadcast %get3A_437 : vector<1x128xf32> to vector<128x128xf32>
    %add3A_439 = arith.addf %get3A_434, %add3A_438 : vector<128x128xf32>
    %transpose3A_440 = tpu.transpose %add3A_439, [1, 0] : vector<128x128xf32> -> vector<128x128xf32>
    %swap3A_441 = arith.constant 3968 : index
    %swap3A_442 = arith.constant 0 : index
    %swap3A_443 = vector.load %arg3[%swap3A_441, %swap3A_442] : memref<6400x128xf32, #tpu.memory_space<vmem>>, vector<128x128xf32>
    tpu.vector_store %arg3[%swap3A_441, %swap3A_442], %transpose3A_440 {strides = array<i32>} : memref<6400x128xf32, #tpu.memory_space<vmem>>, vector<128x128xf32>,
    %get3A_444 = arith.constant 0 : index
    %get3A_445 = arith.constant 4096 : index
    %get3A_446 = arith.constant 0 : index
    %get3A_447 = vector.load %arg1[%get3A_444, %get3A_445, %get3A_446] : memref<1x6400x128xf32, #tpu.memory_space<vmem>>, vector<1x128x128xf32>
    %get3A_448 = vector.shape_cast %get3A_447 : vector<1x128x128xf32> to vector<128x128xf32>
    %get3A_449 = arith.constant 32 : index
    %get3A_450 = arith.constant 0 : index
    %get3A_451 = vector.load %arg2[%get3A_449, %get3A_450] : memref<56x128xf32, #tpu.memory_space<vmem>>, vector<1x128xf32>
    %add3A_452 = vector.broadcast %get3A_451 : vector<1x128xf32> to vector<128x128xf32>
    %add3A_453 = arith.addf %get3A_448, %add3A_452 : vector<128x128xf32>
    %transpose3A_454 = tpu.transpose %add3A_453, [1, 0] : vector<128x128xf32> -> vector<128x128xf32>
    %swap3A_455 = arith.constant 4096 : index
    %swap3A_456 = arith.constant 0 : index
    %swap3A_457 = vector.load %arg3[%swap3A_455, %swap3A_456] : memref<6400x128xf32, #tpu.memory_space<vmem>>, vector<128x128xf32>
    tpu.vector_store %arg3[%swap3A_455, %swap3A_456], %transpose3A_454 {strides = array<i32>} : memref<6400x128xf32, #tpu.memory_space<vmem>>, vector<128x128xf32>,
    %get3A_458 = arith.constant 0 : index
    %get3A_459 = arith.constant 4224 : index
    %get3A_460 = arith.constant 0 : index
    %get3A_461 = vector.load %arg1[%get3A_458, %get3A_459, %get3A_460] : memref<1x6400x128xf32, #tpu.memory_space<vmem>>, vector<1x128x128xf32>
    %get3A_462 = vector.shape_cast %get3A_461 : vector<1x128x128xf32> to vector<128x128xf32>
    %get3A_463 = arith.constant 33 : index
    %get3A_464 = arith.constant 0 : index
    %get3A_465 = vector.load %arg2[%get3A_463, %get3A_464] : memref<56x128xf32, #tpu.memory_space<vmem>>, vector<1x128xf32>
    %add3A_466 = vector.broadcast %get3A_465 : vector<1x128xf32> to vector<128x128xf32>
    %add3A_467 = arith.addf %get3A_462, %add3A_466 : vector<128x128xf32>
    %transpose3A_468 = tpu.transpose %add3A_467, [1, 0] : vector<128x128xf32> -> vector<128x128xf32>
    %swap3A_469 = arith.constant 4224 : index
    %swap3A_470 = arith.constant 0 : index
    %swap3A_471 = vector.load %arg3[%swap3A_469, %swap3A_470] : memref<6400x128xf32, #tpu.memory_space<vmem>>, vector<128x128xf32>
    tpu.vector_store %arg3[%swap3A_469, %swap3A_470], %transpose3A_468 {strides = array<i32>} : memref<6400x128xf32, #tpu.memory_space<vmem>>, vector<128x128xf32>,
    %get3A_472 = arith.constant 0 : index
    %get3A_473 = arith.constant 4352 : index
    %get3A_474 = arith.constant 0 : index
    %get3A_475 = vector.load %arg1[%get3A_472, %get3A_473, %get3A_474] : memref<1x6400x128xf32, #tpu.memory_space<vmem>>, vector<1x128x128xf32>
    %get3A_476 = vector.shape_cast %get3A_475 : vector<1x128x128xf32> to vector<128x128xf32>
    %get3A_477 = arith.constant 34 : index
    %get3A_478 = arith.constant 0 : index
    %get3A_479 = vector.load %arg2[%get3A_477, %get3A_478] : memref<56x128xf32, #tpu.memory_space<vmem>>, vector<1x128xf32>
    %add3A_480 = vector.broadcast %get3A_479 : vector<1x128xf32> to vector<128x128xf32>
    %add3A_481 = arith.addf %get3A_476, %add3A_480 : vector<128x128xf32>
    %transpose3A_482 = tpu.transpose %add3A_481, [1, 0] : vector<128x128xf32> -> vector<128x128xf32>
    %swap3A_483 = arith.constant 4352 : index
    %swap3A_484 = arith.constant 0 : index
    %swap3A_485 = vector.load %arg3[%swap3A_483, %swap3A_484] : memref<6400x128xf32, #tpu.memory_space<vmem>>, vector<128x128xf32>
    tpu.vector_store %arg3[%swap3A_483, %swap3A_484], %transpose3A_482 {strides = array<i32>} : memref<6400x128xf32, #tpu.memory_space<vmem>>, vector<128x128xf32>,
    %get3A_486 = arith.constant 0 : index
    %get3A_487 = arith.constant 4480 : index
    %get3A_488 = arith.constant 0 : index
    %get3A_489 = vector.load %arg1[%get3A_486, %get3A_487, %get3A_488] : memref<1x6400x128xf32, #tpu.memory_space<vmem>>, vector<1x128x128xf32>
    %get3A_490 = vector.shape_cast %get3A_489 : vector<1x128x128xf32> to vector<128x128xf32>
    %get3A_491 = arith.constant 35 : index
    %get3A_492 = arith.constant 0 : index
    %get3A_493 = vector.load %arg2[%get3A_491, %get3A_492] : memref<56x128xf32, #tpu.memory_space<vmem>>, vector<1x128xf32>
    %add3A_494 = vector.broadcast %get3A_493 : vector<1x128xf32> to vector<128x128xf32>
    %add3A_495 = arith.addf %get3A_490, %add3A_494 : vector<128x128xf32>
    %transpose3A_496 = tpu.transpose %add3A_495, [1, 0] : vector<128x128xf32> -> vector<128x128xf32>
    %swap3A_497 = arith.constant 4480 : index
    %swap3A_498 = arith.constant 0 : index
    %swap3A_499 = vector.load %arg3[%swap3A_497, %swap3A_498] : memref<6400x128xf32, #tpu.memory_space<vmem>>, vector<128x128xf32>
    tpu.vector_store %arg3[%swap3A_497, %swap3A_498], %transpose3A_496 {strides = array<i32>} : memref<6400x128xf32, #tpu.memory_space<vmem>>, vector<128x128xf32>,
    %get3A_500 = arith.constant 0 : index
    %get3A_501 = arith.constant 4608 : index
    %get3A_502 = arith.constant 0 : index
    %get3A_503 = vector.load %arg1[%get3A_500, %get3A_501, %get3A_502] : memref<1x6400x128xf32, #tpu.memory_space<vmem>>, vector<1x128x128xf32>
    %get3A_504 = vector.shape_cast %get3A_503 : vector<1x128x128xf32> to vector<128x128xf32>
    %get3A_505 = arith.constant 36 : index
    %get3A_506 = arith.constant 0 : index
    %get3A_507 = vector.load %arg2[%get3A_505, %get3A_506] : memref<56x128xf32, #tpu.memory_space<vmem>>, vector<1x128xf32>
    %add3A_508 = vector.broadcast %get3A_507 : vector<1x128xf32> to vector<128x128xf32>
    %add3A_509 = arith.addf %get3A_504, %add3A_508 : vector<128x128xf32>
    %transpose3A_510 = tpu.transpose %add3A_509, [1, 0] : vector<128x128xf32> -> vector<128x128xf32>
    %swap3A_511 = arith.constant 4608 : index
    %swap3A_512 = arith.constant 0 : index
    %swap3A_513 = vector.load %arg3[%swap3A_511, %swap3A_512] : memref<6400x128xf32, #tpu.memory_space<vmem>>, vector<128x128xf32>
    tpu.vector_store %arg3[%swap3A_511, %swap3A_512], %transpose3A_510 {strides = array<i32>} : memref<6400x128xf32, #tpu.memory_space<vmem>>, vector<128x128xf32>,
    %get3A_514 = arith.constant 0 : index
    %get3A_515 = arith.constant 4736 : index
    %get3A_516 = arith.constant 0 : index
    %get3A_517 = vector.load %arg1[%get3A_514, %get3A_515, %get3A_516] : memref<1x6400x128xf32, #tpu.memory_space<vmem>>, vector<1x128x128xf32>
    %get3A_518 = vector.shape_cast %get3A_517 : vector<1x128x128xf32> to vector<128x128xf32>
    %get3A_519 = arith.constant 37 : index
    %get3A_520 = arith.constant 0 : index
    %get3A_521 = vector.load %arg2[%get3A_519, %get3A_520] : memref<56x128xf32, #tpu.memory_space<vmem>>, vector<1x128xf32>
    %add3A_522 = vector.broadcast %get3A_521 : vector<1x128xf32> to vector<128x128xf32>
    %add3A_523 = arith.addf %get3A_518, %add3A_522 : vector<128x128xf32>
    %transpose3A_524 = tpu.transpose %add3A_523, [1, 0] : vector<128x128xf32> -> vector<128x128xf32>
    %swap3A_525 = arith.constant 4736 : index
    %swap3A_526 = arith.constant 0 : index
    %swap3A_527 = vector.load %arg3[%swap3A_525, %swap3A_526] : memref<6400x128xf32, #tpu.memory_space<vmem>>, vector<128x128xf32>
    tpu.vector_store %arg3[%swap3A_525, %swap3A_526], %transpose3A_524 {strides = array<i32>} : memref<6400x128xf32, #tpu.memory_space<vmem>>, vector<128x128xf32>,
    %get3A_528 = arith.constant 0 : index
    %get3A_529 = arith.constant 4864 : index
    %get3A_530 = arith.constant 0 : index
    %get3A_531 = vector.load %arg1[%get3A_528, %get3A_529, %get3A_530] : memref<1x6400x128xf32, #tpu.memory_space<vmem>>, vector<1x128x128xf32>
    %get3A_532 = vector.shape_cast %get3A_531 : vector<1x128x128xf32> to vector<128x128xf32>
    %get3A_533 = arith.constant 38 : index
    %get3A_534 = arith.constant 0 : index
    %get3A_535 = vector.load %arg2[%get3A_533, %get3A_534] : memref<56x128xf32, #tpu.memory_space<vmem>>, vector<1x128xf32>
    %add3A_536 = vector.broadcast %get3A_535 : vector<1x128xf32> to vector<128x128xf32>
    %add3A_537 = arith.addf %get3A_532, %add3A_536 : vector<128x128xf32>
    %transpose3A_538 = tpu.transpose %add3A_537, [1, 0] : vector<128x128xf32> -> vector<128x128xf32>
    %swap3A_539 = arith.constant 4864 : index
    %swap3A_540 = arith.constant 0 : index
    %swap3A_541 = vector.load %arg3[%swap3A_539, %swap3A_540] : memref<6400x128xf32, #tpu.memory_space<vmem>>, vector<128x128xf32>
    tpu.vector_store %arg3[%swap3A_539, %swap3A_540], %transpose3A_538 {strides = array<i32>} : memref<6400x128xf32, #tpu.memory_space<vmem>>, vector<128x128xf32>,
    %get3A_542 = arith.constant 0 : index
    %get3A_543 = arith.constant 4992 : index
    %get3A_544 = arith.constant 0 : index
    %get3A_545 = vector.load %arg1[%get3A_542, %get3A_543, %get3A_544] : memref<1x6400x128xf32, #tpu.memory_space<vmem>>, vector<1x128x128xf32>
    %get3A_546 = vector.shape_cast %get3A_545 : vector<1x128x128xf32> to vector<128x128xf32>
    %get3A_547 = arith.constant 39 : index
    %get3A_548 = arith.constant 0 : index
    %get3A_549 = vector.load %arg2[%get3A_547, %get3A_548] : memref<56x128xf32, #tpu.memory_space<vmem>>, vector<1x128xf32>
    %add3A_550 = vector.broadcast %get3A_549 : vector<1x128xf32> to vector<128x128xf32>
    %add3A_551 = arith.addf %get3A_546, %add3A_550 : vector<128x128xf32>
    %transpose3A_552 = tpu.transpose %add3A_551, [1, 0] : vector<128x128xf32> -> vector<128x128xf32>
    %swap3A_553 = arith.constant 4992 : index
    %swap3A_554 = arith.constant 0 : index
    %swap3A_555 = vector.load %arg3[%swap3A_553, %swap3A_554] : memref<6400x128xf32, #tpu.memory_space<vmem>>, vector<128x128xf32>
    tpu.vector_store %arg3[%swap3A_553, %swap3A_554], %transpose3A_552 {strides = array<i32>} : memref<6400x128xf32, #tpu.memory_space<vmem>>, vector<128x128xf32>,
    %get3A_556 = arith.constant 0 : index
    %get3A_557 = arith.constant 5120 : index
    %get3A_558 = arith.constant 0 : index
    %get3A_559 = vector.load %arg1[%get3A_556, %get3A_557, %get3A_558] : memref<1x6400x128xf32, #tpu.memory_space<vmem>>, vector<1x128x128xf32>
    %get3A_560 = vector.shape_cast %get3A_559 : vector<1x128x128xf32> to vector<128x128xf32>
    %get3A_561 = arith.constant 40 : index
    %get3A_562 = arith.constant 0 : index
    %get3A_563 = vector.load %arg2[%get3A_561, %get3A_562] : memref<56x128xf32, #tpu.memory_space<vmem>>, vector<1x128xf32>
    %add3A_564 = vector.broadcast %get3A_563 : vector<1x128xf32> to vector<128x128xf32>
    %add3A_565 = arith.addf %get3A_560, %add3A_564 : vector<128x128xf32>
    %transpose3A_566 = tpu.transpose %add3A_565, [1, 0] : vector<128x128xf32> -> vector<128x128xf32>
    %swap3A_567 = arith.constant 5120 : index
    %swap3A_568 = arith.constant 0 : index
    %swap3A_569 = vector.load %arg3[%swap3A_567, %swap3A_568] : memref<6400x128xf32, #tpu.memory_space<vmem>>, vector<128x128xf32>
    tpu.vector_store %arg3[%swap3A_567, %swap3A_568], %transpose3A_566 {strides = array<i32>} : memref<6400x128xf32, #tpu.memory_space<vmem>>, vector<128x128xf32>,
    %get3A_570 = arith.constant 0 : index
    %get3A_571 = arith.constant 5248 : index
    %get3A_572 = arith.constant 0 : index
    %get3A_573 = vector.load %arg1[%get3A_570, %get3A_571, %get3A_572] : memref<1x6400x128xf32, #tpu.memory_space<vmem>>, vector<1x128x128xf32>
    %get3A_574 = vector.shape_cast %get3A_573 : vector<1x128x128xf32> to vector<128x128xf32>
    %get3A_575 = arith.constant 41 : index
    %get3A_576 = arith.constant 0 : index
    %get3A_577 = vector.load %arg2[%get3A_575, %get3A_576] : memref<56x128xf32, #tpu.memory_space<vmem>>, vector<1x128xf32>
    %add3A_578 = vector.broadcast %get3A_577 : vector<1x128xf32> to vector<128x128xf32>
    %add3A_579 = arith.addf %get3A_574, %add3A_578 : vector<128x128xf32>
    %transpose3A_580 = tpu.transpose %add3A_579, [1, 0] : vector<128x128xf32> -> vector<128x128xf32>
    %swap3A_581 = arith.constant 5248 : index
    %swap3A_582 = arith.constant 0 : index
    %swap3A_583 = vector.load %arg3[%swap3A_581, %swap3A_582] : memref<6400x128xf32, #tpu.memory_space<vmem>>, vector<128x128xf32>
    tpu.vector_store %arg3[%swap3A_581, %swap3A_582], %transpose3A_580 {strides = array<i32>} : memref<6400x128xf32, #tpu.memory_space<vmem>>, vector<128x128xf32>,
    %get3A_584 = arith.constant 0 : index
    %get3A_585 = arith.constant 5376 : index
    %get3A_586 = arith.constant 0 : index
    %get3A_587 = vector.load %arg1[%get3A_584, %get3A_585, %get3A_586] : memref<1x6400x128xf32, #tpu.memory_space<vmem>>, vector<1x128x128xf32>
    %get3A_588 = vector.shape_cast %get3A_587 : vector<1x128x128xf32> to vector<128x128xf32>
    %get3A_589 = arith.constant 42 : index
    %get3A_590 = arith.constant 0 : index
    %get3A_591 = vector.load %arg2[%get3A_589, %get3A_590] : memref<56x128xf32, #tpu.memory_space<vmem>>, vector<1x128xf32>
    %add3A_592 = vector.broadcast %get3A_591 : vector<1x128xf32> to vector<128x128xf32>
    %add3A_593 = arith.addf %get3A_588, %add3A_592 : vector<128x128xf32>
    %transpose3A_594 = tpu.transpose %add3A_593, [1, 0] : vector<128x128xf32> -> vector<128x128xf32>
    %swap3A_595 = arith.constant 5376 : index
    %swap3A_596 = arith.constant 0 : index
    %swap3A_597 = vector.load %arg3[%swap3A_595, %swap3A_596] : memref<6400x128xf32, #tpu.memory_space<vmem>>, vector<128x128xf32>
    tpu.vector_store %arg3[%swap3A_595, %swap3A_596], %transpose3A_594 {strides = array<i32>} : memref<6400x128xf32, #tpu.memory_space<vmem>>, vector<128x128xf32>,
    %get3A_598 = arith.constant 0 : index
    %get3A_599 = arith.constant 5504 : index
    %get3A_600 = arith.constant 0 : index
    %get3A_601 = vector.load %arg1[%get3A_598, %get3A_599, %get3A_600] : memref<1x6400x128xf32, #tpu.memory_space<vmem>>, vector<1x128x128xf32>
    %get3A_602 = vector.shape_cast %get3A_601 : vector<1x128x128xf32> to vector<128x128xf32>
    %get3A_603 = arith.constant 43 : index
    %get3A_604 = arith.constant 0 : index
    %get3A_605 = vector.load %arg2[%get3A_603, %get3A_604] : memref<56x128xf32, #tpu.memory_space<vmem>>, vector<1x128xf32>
    %add3A_606 = vector.broadcast %get3A_605 : vector<1x128xf32> to vector<128x128xf32>
    %add3A_607 = arith.addf %get3A_602, %add3A_606 : vector<128x128xf32>
    %transpose3A_608 = tpu.transpose %add3A_607, [1, 0] : vector<128x128xf32> -> vector<128x128xf32>
    %swap3A_609 = arith.constant 5504 : index
    %swap3A_610 = arith.constant 0 : index
    %swap3A_611 = vector.load %arg3[%swap3A_609, %swap3A_610] : memref<6400x128xf32, #tpu.memory_space<vmem>>, vector<128x128xf32>
    tpu.vector_store %arg3[%swap3A_609, %swap3A_610], %transpose3A_608 {strides = array<i32>} : memref<6400x128xf32, #tpu.memory_space<vmem>>, vector<128x128xf32>,
    %get3A_612 = arith.constant 0 : index
    %get3A_613 = arith.constant 5632 : index
    %get3A_614 = arith.constant 0 : index
    %get3A_615 = vector.load %arg1[%get3A_612, %get3A_613, %get3A_614] : memref<1x6400x128xf32, #tpu.memory_space<vmem>>, vector<1x128x128xf32>
    %get3A_616 = vector.shape_cast %get3A_615 : vector<1x128x128xf32> to vector<128x128xf32>
    %get3A_617 = arith.constant 44 : index
    %get3A_618 = arith.constant 0 : index
    %get3A_619 = vector.load %arg2[%get3A_617, %get3A_618] : memref<56x128xf32, #tpu.memory_space<vmem>>, vector<1x128xf32>
    %add3A_620 = vector.broadcast %get3A_619 : vector<1x128xf32> to vector<128x128xf32>
    %add3A_621 = arith.addf %get3A_616, %add3A_620 : vector<128x128xf32>
    %transpose3A_622 = tpu.transpose %add3A_621, [1, 0] : vector<128x128xf32> -> vector<128x128xf32>
    %swap3A_623 = arith.constant 5632 : index
    %swap3A_624 = arith.constant 0 : index
    %swap3A_625 = vector.load %arg3[%swap3A_623, %swap3A_624] : memref<6400x128xf32, #tpu.memory_space<vmem>>, vector<128x128xf32>
    tpu.vector_store %arg3[%swap3A_623, %swap3A_624], %transpose3A_622 {strides = array<i32>} : memref<6400x128xf32, #tpu.memory_space<vmem>>, vector<128x128xf32>,
    %get3A_626 = arith.constant 0 : index
    %get3A_627 = arith.constant 5760 : index
    %get3A_628 = arith.constant 0 : index
    %get3A_629 = vector.load %arg1[%get3A_626, %get3A_627, %get3A_628] : memref<1x6400x128xf32, #tpu.memory_space<vmem>>, vector<1x128x128xf32>
    %get3A_630 = vector.shape_cast %get3A_629 : vector<1x128x128xf32> to vector<128x128xf32>
    %get3A_631 = arith.constant 45 : index
    %get3A_632 = arith.constant 0 : index
    %get3A_633 = vector.load %arg2[%get3A_631, %get3A_632] : memref<56x128xf32, #tpu.memory_space<vmem>>, vector<1x128xf32>
    %add3A_634 = vector.broadcast %get3A_633 : vector<1x128xf32> to vector<128x128xf32>
    %add3A_635 = arith.addf %get3A_630, %add3A_634 : vector<128x128xf32>
    %transpose3A_636 = tpu.transpose %add3A_635, [1, 0] : vector<128x128xf32> -> vector<128x128xf32>
    %swap3A_637 = arith.constant 5760 : index
    %swap3A_638 = arith.constant 0 : index
    %swap3A_639 = vector.load %arg3[%swap3A_637, %swap3A_638] : memref<6400x128xf32, #tpu.memory_space<vmem>>, vector<128x128xf32>
    tpu.vector_store %arg3[%swap3A_637, %swap3A_638], %transpose3A_636 {strides = array<i32>} : memref<6400x128xf32, #tpu.memory_space<vmem>>, vector<128x128xf32>,
    %get3A_640 = arith.constant 0 : index
    %get3A_641 = arith.constant 5888 : index
    %get3A_642 = arith.constant 0 : index
    %get3A_643 = vector.load %arg1[%get3A_640, %get3A_641, %get3A_642] : memref<1x6400x128xf32, #tpu.memory_space<vmem>>, vector<1x128x128xf32>
    %get3A_644 = vector.shape_cast %get3A_643 : vector<1x128x128xf32> to vector<128x128xf32>
    %get3A_645 = arith.constant 46 : index
    %get3A_646 = arith.constant 0 : index
    %get3A_647 = vector.load %arg2[%get3A_645, %get3A_646] : memref<56x128xf32, #tpu.memory_space<vmem>>, vector<1x128xf32>
    %add3A_648 = vector.broadcast %get3A_647 : vector<1x128xf32> to vector<128x128xf32>
    %add3A_649 = arith.addf %get3A_644, %add3A_648 : vector<128x128xf32>
    %transpose3A_650 = tpu.transpose %add3A_649, [1, 0] : vector<128x128xf32> -> vector<128x128xf32>
    %swap3A_651 = arith.constant 5888 : index
    %swap3A_652 = arith.constant 0 : index
    %swap3A_653 = vector.load %arg3[%swap3A_651, %swap3A_652] : memref<6400x128xf32, #tpu.memory_space<vmem>>, vector<128x128xf32>
    tpu.vector_store %arg3[%swap3A_651, %swap3A_652], %transpose3A_650 {strides = array<i32>} : memref<6400x128xf32, #tpu.memory_space<vmem>>, vector<128x128xf32>,
    %get3A_654 = arith.constant 0 : index
    %get3A_655 = arith.constant 6016 : index
    %get3A_656 = arith.constant 0 : index
    %get3A_657 = vector.load %arg1[%get3A_654, %get3A_655, %get3A_656] : memref<1x6400x128xf32, #tpu.memory_space<vmem>>, vector<1x128x128xf32>
    %get3A_658 = vector.shape_cast %get3A_657 : vector<1x128x128xf32> to vector<128x128xf32>
    %get3A_659 = arith.constant 47 : index
    %get3A_660 = arith.constant 0 : index
    %get3A_661 = vector.load %arg2[%get3A_659, %get3A_660] : memref<56x128xf32, #tpu.memory_space<vmem>>, vector<1x128xf32>
    %add3A_662 = vector.broadcast %get3A_661 : vector<1x128xf32> to vector<128x128xf32>
    %add3A_663 = arith.addf %get3A_658, %add3A_662 : vector<128x128xf32>
    %transpose3A_664 = tpu.transpose %add3A_663, [1, 0] : vector<128x128xf32> -> vector<128x128xf32>
    %swap3A_665 = arith.constant 6016 : index
    %swap3A_666 = arith.constant 0 : index
    %swap3A_667 = vector.load %arg3[%swap3A_665, %swap3A_666] : memref<6400x128xf32, #tpu.memory_space<vmem>>, vector<128x128xf32>
    tpu.vector_store %arg3[%swap3A_665, %swap3A_666], %transpose3A_664 {strides = array<i32>} : memref<6400x128xf32, #tpu.memory_space<vmem>>, vector<128x128xf32>,
    %get3A_668 = arith.constant 0 : index
    %get3A_669 = arith.constant 6144 : index
    %get3A_670 = arith.constant 0 : index
    %get3A_671 = vector.load %arg1[%get3A_668, %get3A_669, %get3A_670] : memref<1x6400x128xf32, #tpu.memory_space<vmem>>, vector<1x128x128xf32>
    %get3A_672 = vector.shape_cast %get3A_671 : vector<1x128x128xf32> to vector<128x128xf32>
    %get3A_673 = arith.constant 48 : index
    %get3A_674 = arith.constant 0 : index
    %get3A_675 = vector.load %arg2[%get3A_673, %get3A_674] : memref<56x128xf32, #tpu.memory_space<vmem>>, vector<1x128xf32>
    %add3A_676 = vector.broadcast %get3A_675 : vector<1x128xf32> to vector<128x128xf32>
    %add3A_677 = arith.addf %get3A_672, %add3A_676 : vector<128x128xf32>
    %transpose3A_678 = tpu.transpose %add3A_677, [1, 0] : vector<128x128xf32> -> vector<128x128xf32>
    %swap3A_679 = arith.constant 6144 : index
    %swap3A_680 = arith.constant 0 : index
    %swap3A_681 = vector.load %arg3[%swap3A_679, %swap3A_680] : memref<6400x128xf32, #tpu.memory_space<vmem>>, vector<128x128xf32>
    tpu.vector_store %arg3[%swap3A_679, %swap3A_680], %transpose3A_678 {strides = array<i32>} : memref<6400x128xf32, #tpu.memory_space<vmem>>, vector<128x128xf32>,
    %get3A_682 = arith.constant 0 : index
    %get3A_683 = arith.constant 6272 : index
    %get3A_684 = arith.constant 0 : index
    %get3A_685 = vector.load %arg1[%get3A_682, %get3A_683, %get3A_684] : memref<1x6400x128xf32, #tpu.memory_space<vmem>>, vector<1x128x128xf32>
    %get3A_686 = vector.shape_cast %get3A_685 : vector<1x128x128xf32> to vector<128x128xf32>
    %get3A_687 = arith.constant 49 : index
    %get3A_688 = arith.constant 0 : index
    %get3A_689 = vector.load %arg2[%get3A_687, %get3A_688] : memref<56x128xf32, #tpu.memory_space<vmem>>, vector<1x128xf32>
    %add3A_690 = vector.broadcast %get3A_689 : vector<1x128xf32> to vector<128x128xf32>
    %add3A_691 = arith.addf %get3A_686, %add3A_690 : vector<128x128xf32>
    %transpose3A_692 = tpu.transpose %add3A_691, [1, 0] : vector<128x128xf32> -> vector<128x128xf32>
    %swap3A_693 = arith.constant 6272 : index
    %swap3A_694 = arith.constant 0 : index
    %swap3A_695 = vector.load %arg3[%swap3A_693, %swap3A_694] : memref<6400x128xf32, #tpu.memory_space<vmem>>, vector<128x128xf32>
    tpu.vector_store %arg3[%swap3A_693, %swap3A_694], %transpose3A_692 {strides = array<i32>} : memref<6400x128xf32, #tpu.memory_space<vmem>>, vector<128x128xf32>,
    return
  }
  func.func @transform_0(%arg0: i32) -> (i32, i32, i32) {
    %c0_i32 = arith.constant 0 : i32
    %c0_i32_0 = arith.constant 0 : i32
    %c0_i32_1 = arith.constant 0 : i32
    return %arg0, %c0_i32, %c0_i32_0 : i32, i32, i32
  }
  func.func @transform_1(%arg0: i32) -> (i32, i32) {
    %c0_i32 = arith.constant 0 : i32
    %c0_i32_0 = arith.constant 0 : i32
    %c0_i32_1 = arith.constant 0 : i32
    return %c0_i32, %c0_i32_0 : i32, i32
  }
  func.func @transform_2(%arg0: i32) -> (i32, i32) {
    %c0_i32 = arith.constant 0 : i32
    %c0_i32_0 = arith.constant 0 : i32
    return %c0_i32, %arg0 : i32, i32
  }
}

</mosaic_0001>

<sc_bundles>
// kernel: kernel.5.cloned.1.call-start
scs
__scs_entry_jumppad:
0x0: {  	(pc) =	sbr.rel $0x88, $3  }
0x1: {  	(tag) =	ssettag $0x0;
	lr =	simm.s32 $0x1  }
0x2: {  	[smem:$0x3F9E] =	sst lr;
	_ =	strace $0xD0000000  }
0x3: {  	_ = 	snop  }
0x4: {  	_ = 	snop  }
0x5: {  	_ = 	snop  }
0x6: {  	_ = 	snop  }
0x7: {  	_ = 	snop  }
__scs_overlays_trampoline_lowered:
0x8: {  	[smem:$0x3FAD] =	sst s0  }
0x9: {  	[smem:$0x3FAE] =	sst s1  }
0xa: {  	[smem:$0x3FAF] =	sst s2  }
0xb: {  	[smem:$0x3FB0] =	sst s3  }
0xc: {  	[smem:$0x3FB1] =	sst s4  }
0xd: {  	[smem:$0x3FB2] =	sst s5  }
0xe: {  	[smem:$0x3FB3] =	sst s6  }
0xf: {  	[smem:$0x3FB4] =	sst s7  }
0x10: {  	[smem:$0x3FB5] =	sst s8  }
0x11: {  	[smem:$0x3FB6] =	sst s9;
	s0 =	simm.s32 @!p0 $0x0  }
0x12: {  	s1 =	sld [smem:$0x3F9C];
	s0 =	simm.s32 @p0 $0x1  }
0x13: {  	[smem:$0x3FB7] =	sst s0;
	s0 =	simm.s32 @!p1 $0x0  }
0x14: {  	s2 =	sld [smem:$0x3F9B];
	s0 =	simm.s32 @p1 $0x1  }
0x15: {  	[smem:$0x3FB8] =	sst s0;
	s0 =	simm.s32 @!p2 $0x0  }
0x16: {  	s3 =	sld [smem:$0x3FDB];
	s0 =	simm.s32 @p2 $0x1  }
0x17: {  	s4 =	simm.s32 $0x1BF5;
	[smem:$0x3FBA] =	sst s0  }
0x18: {  	s0 =	sld [smem:$0x3F9D];
	_ =	swait.ge [sflag:s4], $0x0  }
0x19: {  	s7 =	sld [smem:$0x3F9E]  }
0x1a: {  	s8 =	sadd.s32 $0xFFFFE003, lr  }
0x1b: {  	s9 =	sadd.s32 $0xFFFFFEF7, lr;
	s5 =	simm.s32 $0xFFFFFFFF;
	p2 =	slt.u32 s8, $0xFFFFF086  }
0x1c: {  	p1 =	slt.u32 s9, $0xF7A;
	s5 =	simm.s32 @!p2 $0x0  }
0x1d: {  	s5 =	simm.s32 @p1 $0x1;
	p0 =	seq.s32 s7, s2  }
0x1e: {  	s7 =	smul.u32 @!p0 $0xF7A, s2;
	p2 =	seq.s32 @!p0 s5, $0x0  }
0x1f: {  	s9 =	smul.u32 $0xF7A, s1;
	s8 =	simm.s32 @!p0 $0x1BF5;
	p2 =	por !p2, p0  }
0x20: {  	[sflag:s8] =	ssyncset.s32 @!p0 $0xFFFFF086;
	s6 =	sadd.s32 @!p0 s3, s7;
	s7 =	simm.s32 @!p0 $0x108  }
0x21: {  	s3 =	sadd.s32 s3, s9;
	s6 =	sadd.s32 @!p0 $0x88, s6;
	s7 =	simm.s32 @p2 $0x1082  }
0x22: {  	[simem:s7], [sflag:s8] =	dma.local @!p0 [hbm:s6], $0xF7A  }
0x23: {  	s9 =	sor.u32 $0xD0000000, s2;
	s6 =	simm.s32 $0x108;
	_ =	swait.ge @!p0 [sflag:s8], $0x0  }
0x24: {  	s3 =	sadd.s32 $0x88, s3;
	s6 =	simm.s32 @!p1 $0x1082;
	[sflag:s4] =	ssyncset.s32 $0xFFFFF086  }
0x25: {  	[simem:s6], [sflag:s4] =	dma.local [hbm:s3], $0xF7A  }
0x26: {  	[smem:$0x3F9E] =	sst s1;
	(tag) =	ssettag s2;
	_ =	strace s9  }
0x27: {  	s1 =	sld [smem:$0x3FAE]  }
0x28: {  	s2 =	sld [smem:$0x3FAF]  }
0x29: {  	s4 =	sld [smem:$0x3FB1]  }
0x2a: {  	p0 =	seq.s32 s5, $0x0;
	s5 =	sld [smem:$0x3FB2]  }
0x2b: {  	s6 =	sld [smem:$0x3FB3]  }
0x2c: {  	s7 =	sld [smem:$0x3FB4]  }
0x2d: {  	s3 =	simm.s32 $0x108;
	s8 =	sld [smem:$0x3FB5]  }
0x2e: {  	s3 =	simm.s32 @!p0 $0x1082;
	s9 =	sld [smem:$0x3FB6]  }
0x2f: {  	lr =	sadd.s32 s0, s3;
	s0 =	sld [smem:$0x3FAD]  }
0x30: {  	s3 =	sld [smem:$0x3FB0]  }
0x31: {  	[smem:$0x3FB9] =	sst s10  }
0x32: {  	s10 =	sld [smem:$0x3FB7];
	_ =	sdelay $0x3  }
0x33: {  	p0 =	seq.s32 s10, $0x1;
	s10 =	sld [smem:$0x3FB9];
	_ =	sdelay $0x3  }
0x34: {  	[smem:$0x3FB9] =	sst s10  }
0x35: {  	s10 =	sld [smem:$0x3FB8];
	_ =	sdelay $0x3  }
0x36: {  	p1 =	seq.s32 s10, $0x1;
	s10 =	sld [smem:$0x3FB9];
	_ =	sdelay $0x3  }
0x37: {  	[smem:$0x3FB9] =	sst s10  }
0x38: {  	s10 =	sld [smem:$0x3FBA]  }
0x39: {  	_ = 	snop;
	(pc) =	sbr.ind lr, $3  }
0x3a: {  	_ = 	snop  }
0x3b: {  	_ = 	snop  }
0x3c: {  	p2 =	seq.s32 s10, $0x1;
	s10 =	sld [smem:$0x3FB9]  }
0x3d: {  	_ =	shalt  }
0x3e: {  	_ =	shalt  }
0x3f: {  	_ =	shalt  }
0x40: {  	_ =	shalt  }
0x41: {  	_ =	shalt  }
0x42: {  	_ =	shalt  }
0x43: {  	_ =	shalt  }
0x44: {  	_ =	shalt  }
0x45: {  	_ =	shalt  }
0x46: {  	_ =	shalt  }
0x47: {  	_ =	shalt  }
0x48: {  	_ =	shalt  }
0x49: {  	_ =	shalt  }
0x4a: {  	_ =	shalt  }
0x4b: {  	_ =	shalt  }
0x4c: {  	_ =	shalt  }
0x4d: {  	_ =	shalt  }
0x4e: {  	_ =	shalt  }
0x4f: {  	_ =	shalt  }
0x50: {  	_ =	shalt  }
0x51: {  	_ =	shalt  }
0x52: {  	_ =	shalt  }
0x53: {  	_ =	shalt  }
0x54: {  	_ =	shalt  }
0x55: {  	_ =	shalt  }
0x56: {  	_ =	shalt  }
0x57: {  	_ =	shalt  }
0x58: {  	_ =	shalt  }
0x59: {  	_ =	shalt  }
0x5a: {  	_ =	shalt  }
0x5b: {  	_ =	shalt  }
0x5c: {  	_ =	shalt  }
0x5d: {  	_ =	shalt  }
0x5e: {  	_ =	shalt  }
0x5f: {  	_ =	shalt  }
0x60: {  	_ =	shalt  }
0x61: {  	_ =	shalt  }
0x62: {  	_ =	shalt  }
0x63: {  	_ =	shalt  }
0x64: {  	_ =	shalt  }
0x65: {  	_ =	shalt  }
0x66: {  	_ =	shalt  }
0x67: {  	_ =	shalt  }
0x68: {  	_ =	shalt  }
0x69: {  	_ =	shalt  }
0x6a: {  	_ =	shalt  }
0x6b: {  	_ =	shalt  }
0x6c: {  	_ =	shalt  }
0x6d: {  	_ =	shalt  }
0x6e: {  	_ =	shalt  }
0x6f: {  	_ =	shalt  }
0x70: {  	_ =	shalt  }
0x71: {  	_ =	shalt  }
0x72: {  	_ =	shalt  }
0x73: {  	_ =	shalt  }
0x74: {  	_ =	shalt  }
0x75: {  	_ =	shalt  }
0x76: {  	_ =	shalt  }
0x77: {  	_ =	shalt  }
0x78: {  	_ =	shalt  }
0x79: {  	_ =	shalt  }
0x7a: {  	_ =	shalt  }
0x7b: {  	_ =	shalt  }
0x7c: {  	_ =	shalt  }
0x7d: {  	_ =	shalt  }
0x7e: {  	_ =	shalt  }
0x7f: {  	_ =	shalt  }
0x80: {  	_ =	shalt  }
0x81: {  	_ =	shalt  }
0x82: {  	_ =	shalt  }
0x83: {  	_ =	shalt  }
0x84: {  	_ =	shalt  }
0x85: {  	_ =	shalt  }
0x86: {  	_ =	shalt  }
0x87: {  	_ =	shalt  }
.Lfunc_end0:
.L_simem_size_0:
called_computation_lowered:
.L_overlay_start_0:
0x88: {  	s2 =	sld [smem:$0x3FD9]  }
0x89: {  	s3 =	sld [smem:$0x3FFE];
	_ =	sdelay $0x1  }
0x8a: {  	s1 =	srdreg.scid  }
0x8b: {  	s0 =	sand.u32 $0x1, s1  }
0x8c: {  	s17 =	sshll.u32 s0, $0xA;
	s2 =	sadd.s32 s3, s2  }
0x8d: {  	s2 =	sadd.s32 s2, s17  }
0x8e: {  	[smem:$0x3FC5] =	sst s2  }
0x8f: {  	_ = 	snop  }
0x90: {  	s2 =	sld [smem:$0x3FD0];
	(tm) =	ssettm $0x1  }
0x91: {  	s18 =	sld [smem:$0x3FFB];
	_ =	sdelay $0x3  }
0x92: {  	_ =	strace s18  }
0x93: {  	s3 =	sld [smem:$0x3FFC];
	_ =	sdelay $0x3  }
0x94: {  	_ =	strace s3  }
0x95: {  	s3 =	sld [smem:$0x3FFD];
	_ =	sdelay $0x3  }
0x96: {  	_ =	strace s3  }
0x97: {  	_ =	strace $0x8FFFFFFF  }
0x98: {  	s19 =	sld [smem:$0x3FDB];
	_ =	sdelay $0x1  }
0x99: {  	s4 =	simm.s32 $_scs_section_size  }
0x9a: {  	s5 =	simm.s32 $_size__tile_overlayer_lowered;
	s6 =	simm.s32 $_tile_overlayer_lowered  }
0x9b: {  	s22 =	simm.s32 $0x1BFF;
	s21 =	sshll.u32 s6, $0x1;
	s3 =	sadd.s32 s4, s19  }
0x9c: {  	s7 =	simm.s32 $0x0;
	s20 =	sshll.u32 s5, $0x1;
	s5 =	sadd.s32 s21, s3  }
0x9d: {  	[timem:s7], [sflag:s22] =	dma.local [hbm:s5], s20  }
0x9e: {  	_ =	swait.ge [sflag:s22], s20  }
0x9f: {  	s4 =	ssub.s32 $0x0, s20;
	[sflag:s22] =	ssyncset.done $0x0  }
0xa0: {  	[sflag:s22] =	ssyncadd.s32 s4;
	_ =	sdelay $0x1  }
0xa1: {  	s23 =	simm.s32 $0x1B8B  }
0xa2: {  	_ =	swait.ge [sflag:s23], $0x1  }
0xa3: {  	[sflag:s23] =	ssyncset.done $0x0  }
0xa4: {  	s25 =	simm.s32 $0x1B8E;
	s24 =	sld [smem:$0x3FFE];
	[sflag:s23] =	ssyncadd.s32 $0xFFFFFFFF  }
0xa5: {  	s26 =	simm.s32 $execute0_lowered;
	[smem:$0x3FD2] =	sst s25  }
0xa6: {  	s5 =	sshll.u32 s26, $0x1;
	_ =	strace $0x80000046;
	[dreg:$0x1] =	wrdreg $0xFFFFFFFF  }
0xa7: {  	s28 =	simm.s32 $_size_execute0_lowered;
	s3 =	sadd.s32 s3, s5;
	[dreg:$0x0] =	wrdreg $0x0  }
0xa8: {  	s5 =	sshll.u32 s28, $0x1;
	[dreg:$0x2] =	wrdreg s3  }
0xa9: {  	[dreg:$0x3] =	wrdreg s5  }
0xaa: {  	[dreg:$0x4] =	wrdreg $0xC0  }
0xab: {  	_ =	task [dreg:s7], $0x5FFFF  }
0xac: {  	[dreg:$0x1] =	wrdreg $0xFFFFFFFF  }
0xad: {  	[dreg:$0x0] =	wrdreg $0x60  }
0xae: {  	[dreg:$0x2] =	wrdreg s24  }
0xaf: {  	[dreg:$0x3] =	wrdreg s2  }
0xb0: {  	[dreg:$0x4] =	wrdreg $0x9  }
0xb1: {  	_ =	task.clear_ibuf [dreg:s7], $0x5FFFF;
	_ =	strace $0x90000046  }
0xb2: {  	s29 =	simm.s32 $0x9;
	_ =	strace $0x80000048  }
0xb3: {  	_ =	swait.ge [sflag:s29], $0x1  }
0xb4: {  	[sflag:s29] =	ssyncadd.s32 $0xFFFFFFFF  }
0xb5: {  	_ =	strace $0x90000048  }
0xb6: {  	_ =	sfence  }
0xb7: {  	s30 =	sld [smem:$0x0];
	_ =	sdelay $0x2  }
0xb8: {  	s31 =	sshll.u32 s1, $0xD;
	s1 =	sshrl.u32 s1, $0x2  }
0xb9: {  	s3 =	sand.u32 $0x4000, s31;
	s1 =	sadd.s32 s1, s30  }
0xba: {  	s0 =	sor.u32 s3, s0;
	s1 =	sshll.u32 s1, $0x11  }
0xbb: {  	s0 =	sor.u32 s1, s0  }
0xbc: {  	s0 =	sadd.s32 $0x8F2B, s0  }
0xbd: {  	[sflag:s0] =	ssyncadd.remote.s32 $0x1  }
0xbe: {  	_ =	sfence.sel $0xFFFF  }
0xbf: {  	[dreg:$0x0] =	wrdreg $0xFFFFFFFF;
	(pc) =	sbr.abs _section_cstart, $3  }
0xc0: {  	[dreg:$0x1] =	wrdreg $0xFFFFFFFF  }
0xc1: {  	_ =	task.clear_ibuf [dreg:s7], $0x2FFFF;
	_ =	strace $0x9FFFFFFF  }
0xc2: {  	(tm) =	ssettm $0x7FFFFFFF  }
0xc3: {  	_ =	shalt  }
tec
execute0_lowered:
.L_overlay_start_1:
0x0: {  	(tag) =	ssettag $0x1  }
0x1: {  	s4 =	rddreg [dreg:$0x0];
	s1 =	srdreg.scid  }
0x2: {  	s0 =	stileid.u32;
	s6 =	rddreg [dreg:$0x1];
	s2 =	simm.s32 $0x0  }
0x3: {  	s11 =	simm.s32 $0x100;
	s12 =	simm.s32 $0x2400;
	s13 =	simm.s32 $0x180  }
0x4: {  	s14 =	simm.s32 $0x3400;
	s15 =	simm.s32 $0x200;
	s16 =	simm.s32 $0x4400  }
0x5: {  	s17 =	simm.s32 $0x280;
	s18 =	simm.s32 $0x5400;
	s19 =	simm.s32 $0x300  }
0x6: {  	s20 =	simm.s32 $0x6400;
	s21 =	simm.s32 $0x380;
	s22 =	simm.s32 $0x7400  }
0x7: {  	s23 =	simm.s32 $0x1;
	s24 =	simm.s32 $0x2;
	s5 =	smul.u32 $0x190000, s0  }
0x8: {  	s3 =	sand.u32 $0x1, s1;
	s1 =	rddreg [dreg:$0x2];
	s8 =	smul.u32 $0xC800, s0  }
0x9: {  	s25 =	simm.s32 $0x0;
	[smem:$0x7FF] =	sst s2;
	s7 =	smul.u32 $0xC8000, s3  }
0xa: {  	_ =	strace $0x80000047;
	s9 =	ssub.s32 $0x2, s3;
	s10 =	smul.u32 $0x6400, s3  }
0xb: {  	s3 =	sadd.s32 $0x800, s4;
	s30 =	sshrl.u32 s9, $0x1;
	s5 =	sadd.s32 s7, s5  }
0xc: {  	s7 =	ssub.s32 s9, s30;
	s8 =	sadd.s32 s10, s8;
	s9 =	simm.s32 $0x400  }
0xd: {  	s10 =	simm.s32 $0x1400;
	s5 =	sshrl.u32 s5, $0x3;
	s31 =	sshrl.u32 s8, $0x3  }
0xe: {  	s8 =	simm.s32 $0x80;
	s5 =	sadd.s32 s5, s4;
	s4 =	smax.u32 s7, $0x1  }
0xf: {  	s6 =	sadd.s32 s31, s6;
	s7 =	simm.s32 $0x3;
	s5 =	sadd.s32 $0x3D1800, s5  }
.LBB2_1:
0x10: {  	s26 =	sadd.s32 $0x0, s6  }
0x11: {  	[tilespmem:s2], [sflag:$0x3] =	stream.linear.gather [hbm4b:s26+s2], $0x400, $0x38;
	[tilespmem:$0x8400] =	vst v63  }
0x12: {  	_ =	swait.ge [sflag:s7], $0x400  }
0x13: {  	[sflag:s7] =	ssyncset.done $0x0  }
0x14: {  	[sflag:s7] =	ssyncadd.s32 $0xFFFFFC00  }
0x15: {  	[tilespmem:s9], [sflag:$0x1] =	stream.indirect.gather [hbm4b:s3+s8], $0x20, s2, s8, $0xb8;
	[tilespmem:$0x8400] =	vst v63  }
0x16: {  	_ = 	snop  }
0x17: {  	[tilespmem:s10], [sflag:$0x1] =	stream.indirect.gather [hbm4b:s3+s8], $0x20, s8, s8, $0xb8;
	[tilespmem:$0x8400] =	vst v63  }
0x18: {  	_ = 	snop  }
0x19: {  	[tilespmem:s12], [sflag:$0x1] =	stream.indirect.gather [hbm4b:s3+s8], $0x20, s11, s8, $0xb8;
	[tilespmem:$0x8400] =	vst v63  }
0x1a: {  	_ = 	snop  }
0x1b: {  	[tilespmem:s14], [sflag:$0x1] =	stream.indirect.gather [hbm4b:s3+s8], $0x20, s13, s8, $0xb8;
	[tilespmem:$0x8400] =	vst v63  }
0x1c: {  	_ = 	snop  }
0x1d: {  	[tilespmem:s16], [sflag:$0x1] =	stream.indirect.gather [hbm4b:s3+s8], $0x20, s15, s8, $0xb8;
	[tilespmem:$0x8400] =	vst v63  }
0x1e: {  	_ = 	snop  }
0x1f: {  	[tilespmem:s18], [sflag:$0x1] =	stream.indirect.gather [hbm4b:s3+s8], $0x20, s17, s8, $0xb8;
	[tilespmem:$0x8400] =	vst v63  }
0x20: {  	_ = 	snop  }
0x21: {  	[tilespmem:s20], [sflag:$0x1] =	stream.indirect.gather [hbm4b:s3+s8], $0x20, s19, s8, $0xb8;
	[tilespmem:$0x8400] =	vst v63  }
0x22: {  	_ = 	snop  }
0x23: {  	[tilespmem:s22], [sflag:$0x1] =	stream.indirect.gather [hbm4b:s3+s8], $0x20, s21, s8, $0xb8;
	[tilespmem:$0x8400] =	vst v63  }
0x24: {  	_ =	swait.ge [sflag:s23], $0x1000  }
0x25: {  	[sflag:s23] =	ssyncset.done $0x0  }
0x26: {  	[sflag:s23] =	ssyncadd.s32 $0xFFFFF000  }
0x27: {  	_ =	swait.ge [sflag:s23], $0x1000  }
0x28: {  	[sflag:s23] =	ssyncset.done $0x0  }
0x29: {  	[sflag:s23] =	ssyncadd.s32 $0xFFFFF000  }
0x2a: {  	_ =	swait.ge [sflag:s23], $0x1000  }
0x2b: {  	[sflag:s23] =	ssyncset.done $0x0  }
0x2c: {  	[sflag:s23] =	ssyncadd.s32 $0xFFFFF000  }
0x2d: {  	_ =	swait.ge [sflag:s23], $0x1000  }
0x2e: {  	[sflag:s23] =	ssyncset.done $0x0  }
0x2f: {  	[sflag:s23] =	ssyncadd.s32 $0xFFFFF000  }
0x30: {  	_ =	swait.ge [sflag:s23], $0x1000  }
0x31: {  	[sflag:s23] =	ssyncset.done $0x0  }
0x32: {  	[sflag:s23] =	ssyncadd.s32 $0xFFFFF000  }
0x33: {  	_ =	swait.ge [sflag:s23], $0x1000  }
0x34: {  	[sflag:s23] =	ssyncset.done $0x0  }
0x35: {  	[sflag:s23] =	ssyncadd.s32 $0xFFFFF000  }
0x36: {  	_ =	swait.ge [sflag:s23], $0x1000  }
0x37: {  	[sflag:s23] =	ssyncset.done $0x0  }
0x38: {  	[sflag:s23] =	ssyncadd.s32 $0xFFFFF000  }
0x39: {  	_ =	swait.ge [sflag:s23], $0x1000  }
0x3a: {  	[sflag:s23] =	ssyncset.done $0x0  }
0x3b: {  	[sflag:s23] =	ssyncadd.s32 $0xFFFFF000  }
0x3c: {  	[hbm4b:s5+s2] =	stream.linear.scatter [tilespmem:s9], [sflag:$0x2], $0x8000, $0x38;
	[tilespmem:$0x8400] =	vst v63  }
0x3d: {  	s28 =	simm.s32 $0x80;
	_ =	swait.ge [sflag:s24], $0x8000  }
0x3e: {  	s30 =	simm.s32 $0x100;
	s26 =	sadd.s32 $0x1000, s5;
	[sflag:s24] =	ssyncset.done $0x0  }
.LBB2_2:
0x3f: {  	s31 =	sadd.s32 s28, s6  }
0x40: {  	[sflag:s24] =	ssyncadd.s32 $0xFFFF8000;
	s28 =	smov.u32 s30;
	s29 =	sadd.s32 $0x80, s30  }
0x41: {  	[tilespmem:s2], [sflag:$0x3] =	stream.linear.gather [hbm4b:s31+s2], $0x400, $0x38;
	[tilespmem:$0x8400] =	vst v63  }
0x42: {  	p0 =	sne.s32 s30, $0xC00;
	_ =	swait.ge [sflag:s7], $0x400  }
0x43: {  	[sflag:s7] =	ssyncset.done $0x0  }
0x44: {  	[sflag:s7] =	ssyncadd.s32 $0xFFFFFC00  }
0x45: {  	[tilespmem:s9], [sflag:$0x1] =	stream.indirect.gather [hbm4b:s3+s8], $0x20, s2, s8, $0xb8;
	[tilespmem:$0x8400] =	vst v63  }
0x46: {  	_ = 	snop  }
0x47: {  	[tilespmem:s10], [sflag:$0x1] =	stream.indirect.gather [hbm4b:s3+s8], $0x20, s8, s8, $0xb8;
	[tilespmem:$0x8400] =	vst v63  }
0x48: {  	_ = 	snop  }
0x49: {  	[tilespmem:s12], [sflag:$0x1] =	stream.indirect.gather [hbm4b:s3+s8], $0x20, s11, s8, $0xb8;
	[tilespmem:$0x8400] =	vst v63  }
0x4a: {  	_ = 	snop  }
0x4b: {  	[tilespmem:s14], [sflag:$0x1] =	stream.indirect.gather [hbm4b:s3+s8], $0x20, s13, s8, $0xb8;
	[tilespmem:$0x8400] =	vst v63  }
0x4c: {  	_ = 	snop  }
0x4d: {  	[tilespmem:s16], [sflag:$0x1] =	stream.indirect.gather [hbm4b:s3+s8], $0x20, s15, s8, $0xb8;
	[tilespmem:$0x8400] =	vst v63  }
0x4e: {  	_ = 	snop  }
0x4f: {  	[tilespmem:s18], [sflag:$0x1] =	stream.indirect.gather [hbm4b:s3+s8], $0x20, s17, s8, $0xb8;
	[tilespmem:$0x8400] =	vst v63  }
0x50: {  	_ = 	snop  }
0x51: {  	[tilespmem:s20], [sflag:$0x1] =	stream.indirect.gather [hbm4b:s3+s8], $0x20, s19, s8, $0xb8;
	[tilespmem:$0x8400] =	vst v63  }
0x52: {  	_ = 	snop  }
0x53: {  	[tilespmem:s22], [sflag:$0x1] =	stream.indirect.gather [hbm4b:s3+s8], $0x20, s21, s8, $0xb8;
	[tilespmem:$0x8400] =	vst v63  }
0x54: {  	_ =	swait.ge [sflag:s23], $0x1000  }
0x55: {  	[sflag:s23] =	ssyncset.done $0x0  }
0x56: {  	[sflag:s23] =	ssyncadd.s32 $0xFFFFF000  }
0x57: {  	_ =	swait.ge [sflag:s23], $0x1000  }
0x58: {  	[sflag:s23] =	ssyncset.done $0x0  }
0x59: {  	[sflag:s23] =	ssyncadd.s32 $0xFFFFF000  }
0x5a: {  	_ =	swait.ge [sflag:s23], $0x1000  }
0x5b: {  	[sflag:s23] =	ssyncset.done $0x0  }
0x5c: {  	[sflag:s23] =	ssyncadd.s32 $0xFFFFF000  }
0x5d: {  	_ =	swait.ge [sflag:s23], $0x1000  }
0x5e: {  	[sflag:s23] =	ssyncset.done $0x0  }
0x5f: {  	[sflag:s23] =	ssyncadd.s32 $0xFFFFF000  }
0x60: {  	_ =	swait.ge [sflag:s23], $0x1000  }
0x61: {  	[sflag:s23] =	ssyncset.done $0x0  }
0x62: {  	[sflag:s23] =	ssyncadd.s32 $0xFFFFF000  }
0x63: {  	_ =	swait.ge [sflag:s23], $0x1000  }
0x64: {  	[sflag:s23] =	ssyncset.done $0x0  }
0x65: {  	[sflag:s23] =	ssyncadd.s32 $0xFFFFF000  }
0x66: {  	_ =	swait.ge [sflag:s23], $0x1000  }
0x67: {  	[sflag:s23] =	ssyncset.done $0x0  }
0x68: {  	[sflag:s23] =	ssyncadd.s32 $0xFFFFF000  }
0x69: {  	_ =	swait.ge [sflag:s23], $0x1000  }
.Ltmp0:
0x6a: {  	[sflag:s23] =	ssyncset.done $0x0;
	(pc) =	sbr.rel @p0 .LBB2_2-.Ltmp0, $4  }
0x6b: {  	[sflag:s23] =	ssyncadd.s32 $0xFFFFF000  }
0x6c: {  	[hbm4b:s26+s2] =	stream.linear.scatter [tilespmem:s9], [sflag:$0x2], $0x8000, $0x38;
	[tilespmem:$0x8400] =	vst v63  }
0x6d: {  	_ =	swait.ge [sflag:s24], $0x8000  }
0x6e: {  	s30 =	smov.u32 s29;
	s26 =	sadd.s32 $0x1000, s26;
	[sflag:s24] =	ssyncset.done $0x0  }
0x6f: {  	s28 =	sadd.s32 s28, s6;
	[sflag:s24] =	ssyncadd.s32 $0xFFFF8000  }
0x70: {  	[tilespmem:s2], [sflag:$0x3] =	stream.linear.gather [hbm4b:s28+s2], $0x400, $0x38;
	[tilespmem:$0x8400] =	vst v63  }
0x71: {  	_ =	swait.ge [sflag:s7], $0x400  }
0x72: {  	[sflag:s7] =	ssyncset.done $0x0  }
0x73: {  	[sflag:s7] =	ssyncadd.s32 $0xFFFFFC00  }
0x74: {  	[tilespmem:s9], [sflag:$0x1] =	stream.indirect.gather [hbm4b:s3+s8], $0x20, s2, s8, $0xb8;
	[tilespmem:$0x8400] =	vst v63  }
0x75: {  	_ = 	snop  }
0x76: {  	[tilespmem:s10], [sflag:$0x1] =	stream.indirect.gather [hbm4b:s3+s8], $0x20, s8, s8, $0xb8;
	[tilespmem:$0x8400] =	vst v63  }
0x77: {  	_ = 	snop  }
0x78: {  	[tilespmem:s12], [sflag:$0x1] =	stream.indirect.gather [hbm4b:s3+s8], $0x20, s11, s8, $0xb8;
	[tilespmem:$0x8400] =	vst v63  }
0x79: {  	_ = 	snop  }
0x7a: {  	[tilespmem:s14], [sflag:$0x1] =	stream.indirect.gather [hbm4b:s3+s8], $0x20, s13, s8, $0xb8;
	[tilespmem:$0x8400] =	vst v63  }
0x7b: {  	_ = 	snop  }
0x7c: {  	[tilespmem:s16], [sflag:$0x1] =	stream.indirect.gather [hbm4b:s3+s8], $0x20, s15, s8, $0xb8;
	[tilespmem:$0x8400] =	vst v63  }
0x7d: {  	_ = 	snop  }
0x7e: {  	[tilespmem:s18], [sflag:$0x1] =	stream.indirect.gather [hbm4b:s3+s8], $0x20, s17, s8, $0xb8;
	[tilespmem:$0x8400] =	vst v63  }
0x7f: {  	_ = 	snop  }
0x80: {  	[tilespmem:s20], [sflag:$0x1] =	stream.indirect.gather [hbm4b:s3+s8], $0x20, s19, s8, $0xb8;
	[tilespmem:$0x8400] =	vst v63  }
0x81: {  	_ = 	snop  }
0x82: {  	[tilespmem:s22], [sflag:$0x1] =	stream.indirect.gather [hbm4b:s3+s8], $0x20, s21, s8, $0xb8;
	[tilespmem:$0x8400] =	vst v63  }
0x83: {  	_ =	swait.ge [sflag:s23], $0x1000  }
0x84: {  	[sflag:s23] =	ssyncset.done $0x0  }
0x85: {  	[sflag:s23] =	ssyncadd.s32 $0xFFFFF000  }
0x86: {  	_ =	swait.ge [sflag:s23], $0x1000  }
0x87: {  	[sflag:s23] =	ssyncset.done $0x0  }
0x88: {  	[sflag:s23] =	ssyncadd.s32 $0xFFFFF000  }
0x89: {  	_ =	swait.ge [sflag:s23], $0x1000  }
0x8a: {  	[sflag:s23] =	ssyncset.done $0x0  }
0x8b: {  	[sflag:s23] =	ssyncadd.s32 $0xFFFFF000  }
0x8c: {  	_ =	swait.ge [sflag:s23], $0x1000  }
0x8d: {  	[sflag:s23] =	ssyncset.done $0x0  }
0x8e: {  	[sflag:s23] =	ssyncadd.s32 $0xFFFFF000  }
0x8f: {  	_ =	swait.ge [sflag:s23], $0x1000  }
0x90: {  	[sflag:s23] =	ssyncset.done $0x0  }
0x91: {  	[sflag:s23] =	ssyncadd.s32 $0xFFFFF000  }
0x92: {  	_ =	swait.ge [sflag:s23], $0x1000  }
0x93: {  	[sflag:s23] =	ssyncset.done $0x0  }
0x94: {  	[sflag:s23] =	ssyncadd.s32 $0xFFFFF000  }
0x95: {  	_ =	swait.ge [sflag:s23], $0x1000  }
0x96: {  	[sflag:s23] =	ssyncset.done $0x0  }
0x97: {  	[sflag:s23] =	ssyncadd.s32 $0xFFFFF000  }
0x98: {  	s25 =	sadd.s32 $0x1, s25;
	_ =	swait.ge [sflag:s23], $0x1000  }
0x99: {  	p0 =	sne.s32 s25, s4;
	[sflag:s23] =	ssyncset.done $0x0  }
.Ltmp1:
0x9a: {  	[sflag:s23] =	ssyncadd.s32 $0xFFFFF000;
	(pc) =	sbr.rel @p0 .LBB2_1-.Ltmp1, $4  }
0x9b: {  	[hbm4b:s26+s2] =	stream.linear.scatter [tilespmem:s9], [sflag:$0x2], $0x8000, $0x38;
	[tilespmem:$0x8400] =	vst v63  }
0x9c: {  	_ =	swait.ge [sflag:s24], $0x8000  }
0x9d: {  	[sflag:s24] =	ssyncset.done $0x0  }
0x9e: {  	[sflag:s24] =	ssyncadd.s32 $0xFFFF8000  }
0x9f: {  	_ =	sfence.sel $0x180000  }
0xa0: {  	[bflag:$0x0] =	sbarrier.arrive $0xFFFF  }
0xa1: {  	p0 =	sne.s32 s0, $0x0;
	_ =	strace $0x90000047  }
0xa2: {  	s0 =	sadd.s32 @!p0 $0x100000, s1;
	[bflag:$0x2] =	sbarrier.arrive $0xFFFF  }
0xa3: {  	[sflag:s0] =	ssyncadd.tile.s32 @!p0 $0x1;
	_ =	shalt  }
.Lfunc_end2:
_tile_overlayer_lowered:
.L_overlay_start_2:
0xa4: {  	(tag) =	ssettag $0x2  }
0xa5: {  	s0 =	rddreg [dreg:$0x0];
	s2 =	stileid.u32  }
0xa6: {  	s1 =	rddreg [dreg:$0x1];
	p0 =	sne.s32 s2, $0x0  }
0xa7: {  	s3 =	rddreg [dreg:$0x2];
	[bflag:$0x3] =	sbarrier.arrive $0xFFFF;
	s2 =	simm.s32 @!p0 $0x1C03  }
0xa8: {  	[timem:s3], [sflag:s2] =	dma.local @!p0 [hbm:s0], s1  }
0xa9: {  	s0 =	simm.s32 @!p0 $0x3  }
0xaa: {  	_ =	swait.ge @!p0 [sflag:s0], s1  }
0xab: {  	s1 =	ssub.s32 @!p0 $0x0, s1;
	[sflag:s0] =	ssyncset.done @!p0 $0x0  }
0xac: {  	[sflag:s0] =	ssyncadd.s32 @!p0 s1  }
0xad: {  	[bflag:$0x3] =	sbarrier.arrive $0xFFFF  }
0xae: {  	_ =	shalt  }

</sc_bundles>
